<compile_context>
chip_gen: v7x
topology: tpu7x:2x2x1
jax: 0.10.2.dev20260603
libtpu: 0.0.44.dev20260713+nightly
codegen_flags: <defaults>
</compile_context>

<pallas_src>
import functools

import jax
import jax.numpy as jnp
from jax import lax
from jax.experimental import pallas as pl
from jax.experimental.pallas import tpu as pltpu, tpu_sc as plsc

BATCH = 4096
HIST = 200
D = 128
B = BATCH * HIST
ROWS = B // 128
NC = 2
NS = 16
NW = NC * NS
ROWS_PER_W = ROWS // NW
NCH = ROWS_PER_W
NBUF = 5


def _make_emb():
    mesh = plsc.VectorSubcoreMesh(core_axis_name="c", subcore_axis_name="s")

    @functools.partial(
        pl.kernel,
        mesh=mesh,
        out_type=jax.ShapeDtypeStruct((ROWS, 128, D), jnp.float32),
        scratch_types=[
            pltpu.VMEM((ROWS_PER_W, 128), jnp.int32),
            pltpu.VMEM((NBUF, 128, D), jnp.float32),
            pltpu.VMEM_SHARED((1000, D), jnp.float32),
            pltpu.SemaphoreType.DMA,
            pltpu.SemaphoreType.DMA,
            pltpu.SemaphoreType.DMA,
            pltpu.SemaphoreType.DMA,
            pltpu.SemaphoreType.DMA,
            pltpu.SemaphoreType.DMA,
            pltpu.SemaphoreType.DMA,
            pltpu.SemaphoreType.DMA,
            pltpu.SemaphoreType.DMA,
            pltpu.SemaphoreType.DMA,
            pltpu.SemaphoreType.DMA,
        ],
    )
    def emb(x_hbm, w_hbm, out_hbm, idx_v, rows_v, w_sp,
            sg0, sg1, sg2, sg3, sg4, ss0, ss1, ss2, ss3, ss4, si):
        wid = lax.axis_index("s") * NC + lax.axis_index("c")
        row0 = wid * ROWS_PER_W
        sems_g = (sg0, sg1, sg2, sg3, sg4)
        sems_s = (ss0, ss1, ss2, ss3, ss4)

        idx_cp = pltpu.async_copy(x_hbm.at[pl.ds(row0, ROWS_PER_W)], idx_v, si)

        @pl.when(lax.axis_index("s") == 0)
        def _():
            pltpu.sync_copy(w_hbm, w_sp)

        idx_cp.wait()
        plsc.subcore_barrier()

        def fire_gather(c, b):
            pltpu.async_copy(w_sp.at[idx_v.at[c]], rows_v.at[b], sems_g[b])

        def wait_gather(b):
            pltpu.make_async_copy(
                w_sp.at[idx_v.at[0]], rows_v.at[b], sems_g[b]).wait()

        def fire_scatter(c, b):
            pltpu.async_copy(rows_v.at[b], out_hbm.at[row0 + c], sems_s[b])

        def wait_scatter(b):
            pltpu.make_async_copy(
                rows_v.at[b], out_hbm.at[row0], sems_s[b]).wait()

        def pairstep(c, cb, fire):
            wait_gather(cb % NBUF)
            wait_gather((cb + 1) % NBUF)
            fire_scatter(c, cb % NBUF)
            fire_scatter(c + 1, (cb + 1) % NBUF)
            wait_scatter((cb + 3) % NBUF)
            wait_scatter((cb + 4) % NBUF)
            if fire >= 1:
                fire_gather(c + 3, (cb + 3) % NBUF)
            if fire >= 2:
                fire_gather(c + 4, (cb + 4) % NBUF)

        fire_gather(0, 0)
        fire_gather(1, 1)
        fire_gather(2, 2)
        wait_gather(0)
        wait_gather(1)
        fire_scatter(0, 0)
        fire_scatter(1, 1)
        fire_gather(3, 3)
        fire_gather(4, 4)

        def group(g, carry):
            c0 = 10 * g + 2
            for i in range(5):
                pairstep(c0 + 2 * i, (2 + 2 * i) % NBUF, 2)
            return carry

        lax.fori_loop(0, (NCH - 10) // 10, group, 0)

        pairstep(NCH - 8, (NCH - 8) % NBUF, 2)
        pairstep(NCH - 6, (NCH - 6) % NBUF, 2)
        pairstep(NCH - 4, (NCH - 4) % NBUF, 1)
        pairstep(NCH - 2, (NCH - 2) % NBUF, 0)
        wait_scatter((NCH - 2) % NBUF)
        wait_scatter((NCH - 1) % NBUF)

    return emb


_emb = _make_emb()


def kernel(x, W):
    x2 = x.reshape(ROWS, 128)
    out = _emb(x2, W)
    return out.reshape(BATCH, HIST, D)

# --- scband reference (transcript-rebuilt; emitter-appended) ---
"""Pipeline reference for scband-basic-time-embedding-32633161515596 (READ-ONLY COPY).

The authoritative reference and input builder live on the scoring server;
editing this copy changes nothing except your own understanding.
"""

import jax, jax.numpy as jnp
import numpy as np
import math

C_IN = 1000
D_MODEL = 128
BATCH = 4096
HIST = 200


def _make_fixed_table(c_in, d_model):
    position = np.arange(0, c_in, dtype=np.float32)[:, None]
    div_term = np.exp(np.arange(0, d_model, 2, dtype=np.float32) * -(math.log(10000.0) / d_model))
    w = np.zeros((c_in, d_model), dtype=np.float32)
    w[:, 0::2] = np.sin(position * div_term)
    w[:, 1::2] = np.cos(position * div_term)
    return jnp.asarray(w)


def setup_inputs(seed: int = 0) -> dict:
    key = jax.random.key(seed)
    x = jax.random.randint(key, (BATCH, HIST), 0, C_IN, dtype=jnp.int32)
    W = _make_fixed_table(C_IN, D_MODEL)
    return {"x": x, "W": W}


def reference(x, W):
    # BasicTimeEmbedding(timestamp_type='fixed') -> FixedEmbedding: emb(x).detach()
    out = jnp.take(W, x, axis=0)
    return jax.lax.stop_gradient(out)

if __name__ == "__main__":
    import jax
    _d = setup_inputs()
    print(jax.jit(kernel)(*tuple(_d.values())))

</pallas_src>

<mosaic_0001>
#map = affine_map<(d0, d1) -> (0, 0)>
#map1 = affine_map<(d0, d1) -> (0, 0, 0)>
module attributes {stable_mosaic.version = 14 : i64} {
  func.func @emb(%arg0: i32, %arg1: i32, %arg2: memref<6400x128xi32, #tpu.memory_space<hbm>>, %arg3: memref<1000x128xf32, #tpu.memory_space<hbm>>, %arg4: memref<6400x128x128xf32, #tpu.memory_space<hbm>>, %arg5: memref<200x128xi32, #tpu.memory_space<vmem>>, %arg6: memref<5x128x128xf32, #tpu.memory_space<vmem>>, %arg7: memref<1000x128xf32, #tpu.memory_space<vmem_shared>>, %arg8: memref<!tpu.dma_semaphore, #tpu.memory_space<semaphore_mem>>, %arg9: memref<!tpu.dma_semaphore, #tpu.memory_space<semaphore_mem>>, %arg10: memref<!tpu.dma_semaphore, #tpu.memory_space<semaphore_mem>>, %arg11: memref<!tpu.dma_semaphore, #tpu.memory_space<semaphore_mem>>, %arg12: memref<!tpu.dma_semaphore, #tpu.memory_space<semaphore_mem>>, %arg13: memref<!tpu.dma_semaphore, #tpu.memory_space<semaphore_mem>>, %arg14: memref<!tpu.dma_semaphore, #tpu.memory_space<semaphore_mem>>, %arg15: memref<!tpu.dma_semaphore, #tpu.memory_space<semaphore_mem>>, %arg16: memref<!tpu.dma_semaphore, #tpu.memory_space<semaphore_mem>>, %arg17: memref<!tpu.dma_semaphore, #tpu.memory_space<semaphore_mem>>, %arg18: memref<!tpu.dma_semaphore, #tpu.memory_space<semaphore_mem>>) attributes {dimension_semantics = [#tpu.dimension_semantics<core_parallel>, #tpu.dimension_semantics<subcore_parallel>], iteration_bounds = array<i64: 2, 16>, scalar_prefetch = 0 : i64, scratch_operands = 14 : i64, tpu.core_type = #tpu.core_type<sc_vector_subcore>, window_params = [{transform_indices = #map}, {transform_indices = #map}, {transform_indices = #map1}]} {
    %mul3A = arith.constant 2 : i32
    %mul3A_0 = arith.muli %arg1, %mul3A : i32
    %add3A = arith.addi %mul3A_0, %arg0 : i32
    %mul3A_1 = arith.constant 200 : i32
    %mul3A_2 = arith.muli %add3A, %mul3A_1 : i32
    %dma_start3A = arith.constant 0 : i32
    %dma_start3A_3 = tpu.memref_slice %arg2[%mul3A_2, %dma_start3A] : memref<6400x128xi32, #tpu.memory_space<hbm>> -> memref<200x128xi32, #tpu.memory_space<hbm>>
    %dma_start3A_4 = arith.constant 0 : i32
    %dma_start3A_5 = tpu.memref_slice %arg2[%mul3A_2, %dma_start3A_4] : memref<6400x128xi32, #tpu.memory_space<hbm>> -> memref<200x128xi32, #tpu.memory_space<hbm>>
    tpu.enqueue_dma source(%dma_start3A_5 : memref<200x128xi32, #tpu.memory_space<hbm>>) target(%arg5 : memref<200x128xi32, #tpu.memory_space<vmem>>) target_semaphore(%arg18 : memref<!tpu.dma_semaphore, #tpu.memory_space<semaphore_mem>>)
    %eq3A = arith.constant 0 : i32
    %eq3A_6 = arith.cmpi eq, %arg1, %eq3A : i32
    %convert_element_type3A = arith.extui %eq3A_6 : i1 to i32
    %cond3A = arith.constant 0 : i32
    %cond3A_7 = arith.cmpi ne, %convert_element_type3A, %cond3A : i32
    scf.if %cond3A_7 {
      "tpu.region"() ({
        %run_scoped3A = tpu.sem_alloc : memref<!tpu.dma_semaphore, #tpu.memory_space<semaphore_mem>>
        tpu.enqueue_dma source(%arg3 : memref<1000x128xf32, #tpu.memory_space<hbm>>) target(%arg7 : memref<1000x128xf32, #tpu.memory_space<vmem_shared>>) target_semaphore(%run_scoped3A : memref<!tpu.dma_semaphore, #tpu.memory_space<semaphore_mem>>)
        tpu.wait_dma2 semaphore(%run_scoped3A : memref<!tpu.dma_semaphore, #tpu.memory_space<semaphore_mem>>) src(%arg3 : memref<1000x128xf32, #tpu.memory_space<hbm>>) dst(%arg7 : memref<1000x128xf32, #tpu.memory_space<vmem_shared>>)
        tpu.yield
      }) : () -> ()
    } else {
    }
    %dma_wait3A = arith.constant 0 : i32
    %dma_wait3A_8 = tpu.memref_slice %arg2[%mul3A_2, %dma_wait3A] : memref<6400x128xi32, #tpu.memory_space<hbm>> -> memref<200x128xi32, #tpu.memory_space<hbm>>
    %dma_wait3A_9 = arith.constant 0 : i32
    %dma_wait3A_10 = tpu.memref_slice %arg2[%mul3A_2, %dma_wait3A_9] : memref<6400x128xi32, #tpu.memory_space<hbm>> -> memref<200x128xi32, #tpu.memory_space<hbm>>
    tpu.wait_dma2 semaphore(%arg18 : memref<!tpu.dma_semaphore, #tpu.memory_space<semaphore_mem>>) src(%dma_wait3A_10 : memref<200x128xi32, #tpu.memory_space<hbm>>) dst(%arg5 : memref<200x128xi32, #tpu.memory_space<vmem>>)
    %barrier3A = arith.constant 0 : index
    tpu.barrier barrier_id(%barrier3A)
    %dma_start3A_11 = arith.constant 0 : i32
    %dma_start3A_12 = arith.constant 0 : i32
    %dma_start3A_13 = arith.constant 0 : i32
    %dma_start3A_14 = arith.constant 0 : i32
    %dma_start3A_15 = tpu.memref_slice %arg6[%dma_start3A_12, %dma_start3A_13, %dma_start3A_14] : memref<5x128x128xf32, #tpu.memory_space<vmem>> -> memref<1x128x128xf32, #tpu.memory_space<vmem>>
    %dma_start3A_16 = tpu.memref_squeeze %dma_start3A_15 : memref<1x128x128xf32, #tpu.memory_space<vmem>> -> memref<128x128xf32, #tpu.memory_space<vmem>>
    %dma_start3A_17 = arith.constant 0 : i32
    %dma_start3A_18 = tpu.memref_slice %arg5[%dma_start3A_11, %dma_start3A_17] : memref<200x128xi32, #tpu.memory_space<vmem>> -> memref<1x128xi32, #tpu.memory_space<vmem>>
    %dma_start3A_19 = tpu.memref_squeeze %dma_start3A_18 : memref<1x128xi32, #tpu.memory_space<vmem>> -> memref<128xi32, #tpu.memory_space<vmem>>
    %dma_start3A_20 = arith.constant 0 : i32
    %dma_start3A_21 = arith.constant 0 : i32
    %dma_start3A_22 = tpu.memref_slice %arg7[%dma_start3A_20, %dma_start3A_21] : memref<1000x128xf32, #tpu.memory_space<vmem_shared>> -> memref<1000x128xf32, #tpu.memory_space<vmem_shared>>
    tpu.enqueue_indirect_dma source(%dma_start3A_22 : memref<1000x128xf32, #tpu.memory_space<vmem_shared>>) target(%dma_start3A_16 : memref<128x128xf32, #tpu.memory_space<vmem>>) offsets(%dma_start3A_19 : memref<128xi32, #tpu.memory_space<vmem>>) semaphore(%arg8 : memref<!tpu.dma_semaphore, #tpu.memory_space<semaphore_mem>>)
    %dma_start3A_23 = arith.constant 1 : i32
    %dma_start3A_24 = arith.constant 1 : i32
    %dma_start3A_25 = arith.constant 0 : i32
    %dma_start3A_26 = arith.constant 0 : i32
    %dma_start3A_27 = tpu.memref_slice %arg6[%dma_start3A_24, %dma_start3A_25, %dma_start3A_26] : memref<5x128x128xf32, #tpu.memory_space<vmem>> -> memref<1x128x128xf32, #tpu.memory_space<vmem>>
    %dma_start3A_28 = tpu.memref_squeeze %dma_start3A_27 : memref<1x128x128xf32, #tpu.memory_space<vmem>> -> memref<128x128xf32, #tpu.memory_space<vmem>>
    %dma_start3A_29 = arith.constant 0 : i32
    %dma_start3A_30 = tpu.memref_slice %arg5[%dma_start3A_23, %dma_start3A_29] : memref<200x128xi32, #tpu.memory_space<vmem>> -> memref<1x128xi32, #tpu.memory_space<vmem>>
    %dma_start3A_31 = tpu.memref_squeeze %dma_start3A_30 : memref<1x128xi32, #tpu.memory_space<vmem>> -> memref<128xi32, #tpu.memory_space<vmem>>
    %dma_start3A_32 = arith.constant 0 : i32
    %dma_start3A_33 = arith.constant 0 : i32
    %dma_start3A_34 = tpu.memref_slice %arg7[%dma_start3A_32, %dma_start3A_33] : memref<1000x128xf32, #tpu.memory_space<vmem_shared>> -> memref<1000x128xf32, #tpu.memory_space<vmem_shared>>
    tpu.enqueue_indirect_dma source(%dma_start3A_34 : memref<1000x128xf32, #tpu.memory_space<vmem_shared>>) target(%dma_start3A_28 : memref<128x128xf32, #tpu.memory_space<vmem>>) offsets(%dma_start3A_31 : memref<128xi32, #tpu.memory_space<vmem>>) semaphore(%arg9 : memref<!tpu.dma_semaphore, #tpu.memory_space<semaphore_mem>>)
    %dma_start3A_35 = arith.constant 2 : i32
    %dma_start3A_36 = arith.constant 2 : i32
    %dma_start3A_37 = arith.constant 0 : i32
    %dma_start3A_38 = arith.constant 0 : i32
    %dma_start3A_39 = tpu.memref_slice %arg6[%dma_start3A_36, %dma_start3A_37, %dma_start3A_38] : memref<5x128x128xf32, #tpu.memory_space<vmem>> -> memref<1x128x128xf32, #tpu.memory_space<vmem>>
    %dma_start3A_40 = tpu.memref_squeeze %dma_start3A_39 : memref<1x128x128xf32, #tpu.memory_space<vmem>> -> memref<128x128xf32, #tpu.memory_space<vmem>>
    %dma_start3A_41 = arith.constant 0 : i32
    %dma_start3A_42 = tpu.memref_slice %arg5[%dma_start3A_35, %dma_start3A_41] : memref<200x128xi32, #tpu.memory_space<vmem>> -> memref<1x128xi32, #tpu.memory_space<vmem>>
    %dma_start3A_43 = tpu.memref_squeeze %dma_start3A_42 : memref<1x128xi32, #tpu.memory_space<vmem>> -> memref<128xi32, #tpu.memory_space<vmem>>
    %dma_start3A_44 = arith.constant 0 : i32
    %dma_start3A_45 = arith.constant 0 : i32
    %dma_start3A_46 = tpu.memref_slice %arg7[%dma_start3A_44, %dma_start3A_45] : memref<1000x128xf32, #tpu.memory_space<vmem_shared>> -> memref<1000x128xf32, #tpu.memory_space<vmem_shared>>
    tpu.enqueue_indirect_dma source(%dma_start3A_46 : memref<1000x128xf32, #tpu.memory_space<vmem_shared>>) target(%dma_start3A_40 : memref<128x128xf32, #tpu.memory_space<vmem>>) offsets(%dma_start3A_43 : memref<128xi32, #tpu.memory_space<vmem>>) semaphore(%arg10 : memref<!tpu.dma_semaphore, #tpu.memory_space<semaphore_mem>>)
    %dma_wait3A_47 = arith.constant 0 : i32
    %dma_wait3A_48 = arith.constant 0 : i32
    %dma_wait3A_49 = arith.constant 0 : i32
    %dma_wait3A_50 = arith.constant 0 : i32
    %dma_wait3A_51 = tpu.memref_slice %arg6[%dma_wait3A_48, %dma_wait3A_49, %dma_wait3A_50] : memref<5x128x128xf32, #tpu.memory_space<vmem>> -> memref<1x128x128xf32, #tpu.memory_space<vmem>>
    %dma_wait3A_52 = tpu.memref_squeeze %dma_wait3A_51 : memref<1x128x128xf32, #tpu.memory_space<vmem>> -> memref<128x128xf32, #tpu.memory_space<vmem>>
    %dma_wait3A_53 = arith.constant 0 : i32
    %dma_wait3A_54 = tpu.memref_slice %arg5[%dma_wait3A_47, %dma_wait3A_53] : memref<200x128xi32, #tpu.memory_space<vmem>> -> memref<1x128xi32, #tpu.memory_space<vmem>>
    %dma_wait3A_55 = tpu.memref_squeeze %dma_wait3A_54 : memref<1x128xi32, #tpu.memory_space<vmem>> -> memref<128xi32, #tpu.memory_space<vmem>>
    %dma_wait3A_56 = arith.constant 0 : i32
    %dma_wait3A_57 = arith.constant 0 : i32
    %dma_wait3A_58 = tpu.memref_slice %arg7[%dma_wait3A_56, %dma_wait3A_57] : memref<1000x128xf32, #tpu.memory_space<vmem_shared>> -> memref<1000x128xf32, #tpu.memory_space<vmem_shared>>
    tpu.wait_indirect_dma semaphore(%arg8 : memref<!tpu.dma_semaphore, #tpu.memory_space<semaphore_mem>>) src(%dma_wait3A_58 : memref<1000x128xf32, #tpu.memory_space<vmem_shared>>) dst(%dma_wait3A_52 : memref<128x128xf32, #tpu.memory_space<vmem>>)
    %dma_wait3A_59 = arith.constant 0 : i32
    %dma_wait3A_60 = arith.constant 1 : i32
    %dma_wait3A_61 = arith.constant 0 : i32
    %dma_wait3A_62 = arith.constant 0 : i32
    %dma_wait3A_63 = tpu.memref_slice %arg6[%dma_wait3A_60, %dma_wait3A_61, %dma_wait3A_62] : memref<5x128x128xf32, #tpu.memory_space<vmem>> -> memref<1x128x128xf32, #tpu.memory_space<vmem>>
    %dma_wait3A_64 = tpu.memref_squeeze %dma_wait3A_63 : memref<1x128x128xf32, #tpu.memory_space<vmem>> -> memref<128x128xf32, #tpu.memory_space<vmem>>
    %dma_wait3A_65 = arith.constant 0 : i32
    %dma_wait3A_66 = tpu.memref_slice %arg5[%dma_wait3A_59, %dma_wait3A_65] : memref<200x128xi32, #tpu.memory_space<vmem>> -> memref<1x128xi32, #tpu.memory_space<vmem>>
    %dma_wait3A_67 = tpu.memref_squeeze %dma_wait3A_66 : memref<1x128xi32, #tpu.memory_space<vmem>> -> memref<128xi32, #tpu.memory_space<vmem>>
    %dma_wait3A_68 = arith.constant 0 : i32
    %dma_wait3A_69 = arith.constant 0 : i32
    %dma_wait3A_70 = tpu.memref_slice %arg7[%dma_wait3A_68, %dma_wait3A_69] : memref<1000x128xf32, #tpu.memory_space<vmem_shared>> -> memref<1000x128xf32, #tpu.memory_space<vmem_shared>>
    tpu.wait_indirect_dma semaphore(%arg9 : memref<!tpu.dma_semaphore, #tpu.memory_space<semaphore_mem>>) src(%dma_wait3A_70 : memref<1000x128xf32, #tpu.memory_space<vmem_shared>>) dst(%dma_wait3A_64 : memref<128x128xf32, #tpu.memory_space<vmem>>)
    %add3A_71 = arith.constant 0 : i32
    %add3A_72 = arith.addi %mul3A_2, %add3A_71 : i32
    %dma_start3A_73 = arith.constant 0 : i32
    %dma_start3A_74 = arith.constant 0 : i32
    %dma_start3A_75 = arith.constant 0 : i32
    %dma_start3A_76 = tpu.memref_slice %arg6[%dma_start3A_73, %dma_start3A_74, %dma_start3A_75] : memref<5x128x128xf32, #tpu.memory_space<vmem>> -> memref<1x128x128xf32, #tpu.memory_space<vmem>>
    %dma_start3A_77 = tpu.memref_squeeze %dma_start3A_76 : memref<1x128x128xf32, #tpu.memory_space<vmem>> -> memref<128x128xf32, #tpu.memory_space<vmem>>
    %dma_start3A_78 = arith.constant 0 : i32
    %dma_start3A_79 = arith.constant 0 : i32
    %dma_start3A_80 = tpu.memref_slice %arg4[%add3A_72, %dma_start3A_78, %dma_start3A_79] : memref<6400x128x128xf32, #tpu.memory_space<hbm>> -> memref<1x128x128xf32, #tpu.memory_space<hbm>>
    %dma_start3A_81 = tpu.memref_squeeze %dma_start3A_80 : memref<1x128x128xf32, #tpu.memory_space<hbm>> -> memref<128x128xf32, #tpu.memory_space<hbm>>
    %dma_start3A_82 = arith.constant 0 : i32
    %dma_start3A_83 = arith.constant 0 : i32
    %dma_start3A_84 = tpu.memref_slice %arg4[%add3A_72, %dma_start3A_82, %dma_start3A_83] : memref<6400x128x128xf32, #tpu.memory_space<hbm>> -> memref<1x128x128xf32, #tpu.memory_space<hbm>>
    %dma_start3A_85 = tpu.memref_squeeze %dma_start3A_84 : memref<1x128x128xf32, #tpu.memory_space<hbm>> -> memref<128x128xf32, #tpu.memory_space<hbm>>
    %dma_start3A_86 = arith.constant 0 : i32
    %dma_start3A_87 = arith.constant 0 : i32
    %dma_start3A_88 = tpu.memref_slice %arg6[%dma_start3A_73, %dma_start3A_86, %dma_start3A_87] : memref<5x128x128xf32, #tpu.memory_space<vmem>> -> memref<1x128x128xf32, #tpu.memory_space<vmem>>
    %dma_start3A_89 = tpu.memref_squeeze %dma_start3A_88 : memref<1x128x128xf32, #tpu.memory_space<vmem>> -> memref<128x128xf32, #tpu.memory_space<vmem>>
    tpu.enqueue_dma source(%dma_start3A_89 : memref<128x128xf32, #tpu.memory_space<vmem>>) target(%dma_start3A_85 : memref<128x128xf32, #tpu.memory_space<hbm>>) target_semaphore(%arg13 : memref<!tpu.dma_semaphore, #tpu.memory_space<semaphore_mem>>)
    %add3A_90 = arith.constant 1 : i32
    %add3A_91 = arith.addi %mul3A_2, %add3A_90 : i32
    %dma_start3A_92 = arith.constant 1 : i32
    %dma_start3A_93 = arith.constant 0 : i32
    %dma_start3A_94 = arith.constant 0 : i32
    %dma_start3A_95 = tpu.memref_slice %arg6[%dma_start3A_92, %dma_start3A_93, %dma_start3A_94] : memref<5x128x128xf32, #tpu.memory_space<vmem>> -> memref<1x128x128xf32, #tpu.memory_space<vmem>>
    %dma_start3A_96 = tpu.memref_squeeze %dma_start3A_95 : memref<1x128x128xf32, #tpu.memory_space<vmem>> -> memref<128x128xf32, #tpu.memory_space<vmem>>
    %dma_start3A_97 = arith.constant 0 : i32
    %dma_start3A_98 = arith.constant 0 : i32
    %dma_start3A_99 = tpu.memref_slice %arg4[%add3A_91, %dma_start3A_97, %dma_start3A_98] : memref<6400x128x128xf32, #tpu.memory_space<hbm>> -> memref<1x128x128xf32, #tpu.memory_space<hbm>>
    %dma_start3A_100 = tpu.memref_squeeze %dma_start3A_99 : memref<1x128x128xf32, #tpu.memory_space<hbm>> -> memref<128x128xf32, #tpu.memory_space<hbm>>
    %dma_start3A_101 = arith.constant 0 : i32
    %dma_start3A_102 = arith.constant 0 : i32
    %dma_start3A_103 = tpu.memref_slice %arg4[%add3A_91, %dma_start3A_101, %dma_start3A_102] : memref<6400x128x128xf32, #tpu.memory_space<hbm>> -> memref<1x128x128xf32, #tpu.memory_space<hbm>>
    %dma_start3A_104 = tpu.memref_squeeze %dma_start3A_103 : memref<1x128x128xf32, #tpu.memory_space<hbm>> -> memref<128x128xf32, #tpu.memory_space<hbm>>
    %dma_start3A_105 = arith.constant 0 : i32
    %dma_start3A_106 = arith.constant 0 : i32
    %dma_start3A_107 = tpu.memref_slice %arg6[%dma_start3A_92, %dma_start3A_105, %dma_start3A_106] : memref<5x128x128xf32, #tpu.memory_space<vmem>> -> memref<1x128x128xf32, #tpu.memory_space<vmem>>
    %dma_start3A_108 = tpu.memref_squeeze %dma_start3A_107 : memref<1x128x128xf32, #tpu.memory_space<vmem>> -> memref<128x128xf32, #tpu.memory_space<vmem>>
    tpu.enqueue_dma source(%dma_start3A_108 : memref<128x128xf32, #tpu.memory_space<vmem>>) target(%dma_start3A_104 : memref<128x128xf32, #tpu.memory_space<hbm>>) target_semaphore(%arg14 : memref<!tpu.dma_semaphore, #tpu.memory_space<semaphore_mem>>)
    %dma_start3A_109 = arith.constant 3 : i32
    %dma_start3A_110 = arith.constant 3 : i32
    %dma_start3A_111 = arith.constant 0 : i32
    %dma_start3A_112 = arith.constant 0 : i32
    %dma_start3A_113 = tpu.memref_slice %arg6[%dma_start3A_110, %dma_start3A_111, %dma_start3A_112] : memref<5x128x128xf32, #tpu.memory_space<vmem>> -> memref<1x128x128xf32, #tpu.memory_space<vmem>>
    %dma_start3A_114 = tpu.memref_squeeze %dma_start3A_113 : memref<1x128x128xf32, #tpu.memory_space<vmem>> -> memref<128x128xf32, #tpu.memory_space<vmem>>
    %dma_start3A_115 = arith.constant 0 : i32
    %dma_start3A_116 = tpu.memref_slice %arg5[%dma_start3A_109, %dma_start3A_115] : memref<200x128xi32, #tpu.memory_space<vmem>> -> memref<1x128xi32, #tpu.memory_space<vmem>>
    %dma_start3A_117 = tpu.memref_squeeze %dma_start3A_116 : memref<1x128xi32, #tpu.memory_space<vmem>> -> memref<128xi32, #tpu.memory_space<vmem>>
    %dma_start3A_118 = arith.constant 0 : i32
    %dma_start3A_119 = arith.constant 0 : i32
    %dma_start3A_120 = tpu.memref_slice %arg7[%dma_start3A_118, %dma_start3A_119] : memref<1000x128xf32, #tpu.memory_space<vmem_shared>> -> memref<1000x128xf32, #tpu.memory_space<vmem_shared>>
    tpu.enqueue_indirect_dma source(%dma_start3A_120 : memref<1000x128xf32, #tpu.memory_space<vmem_shared>>) target(%dma_start3A_114 : memref<128x128xf32, #tpu.memory_space<vmem>>) offsets(%dma_start3A_117 : memref<128xi32, #tpu.memory_space<vmem>>) semaphore(%arg11 : memref<!tpu.dma_semaphore, #tpu.memory_space<semaphore_mem>>)
    %dma_start3A_121 = arith.constant 4 : i32
    %dma_start3A_122 = arith.constant 4 : i32
    %dma_start3A_123 = arith.constant 0 : i32
    %dma_start3A_124 = arith.constant 0 : i32
    %dma_start3A_125 = tpu.memref_slice %arg6[%dma_start3A_122, %dma_start3A_123, %dma_start3A_124] : memref<5x128x128xf32, #tpu.memory_space<vmem>> -> memref<1x128x128xf32, #tpu.memory_space<vmem>>
    %dma_start3A_126 = tpu.memref_squeeze %dma_start3A_125 : memref<1x128x128xf32, #tpu.memory_space<vmem>> -> memref<128x128xf32, #tpu.memory_space<vmem>>
    %dma_start3A_127 = arith.constant 0 : i32
    %dma_start3A_128 = tpu.memref_slice %arg5[%dma_start3A_121, %dma_start3A_127] : memref<200x128xi32, #tpu.memory_space<vmem>> -> memref<1x128xi32, #tpu.memory_space<vmem>>
    %dma_start3A_129 = tpu.memref_squeeze %dma_start3A_128 : memref<1x128xi32, #tpu.memory_space<vmem>> -> memref<128xi32, #tpu.memory_space<vmem>>
    %dma_start3A_130 = arith.constant 0 : i32
    %dma_start3A_131 = arith.constant 0 : i32
    %dma_start3A_132 = tpu.memref_slice %arg7[%dma_start3A_130, %dma_start3A_131] : memref<1000x128xf32, #tpu.memory_space<vmem_shared>> -> memref<1000x128xf32, #tpu.memory_space<vmem_shared>>
    tpu.enqueue_indirect_dma source(%dma_start3A_132 : memref<1000x128xf32, #tpu.memory_space<vmem_shared>>) target(%dma_start3A_126 : memref<128x128xf32, #tpu.memory_space<vmem>>) offsets(%dma_start3A_129 : memref<128xi32, #tpu.memory_space<vmem>>) semaphore(%arg12 : memref<!tpu.dma_semaphore, #tpu.memory_space<semaphore_mem>>)
    %scan3A = arith.constant 0 : i32
    %scan3A_133 = arith.constant 0 : i32
    %scan3A_134 = arith.constant 19 : i32
    %scan3A_135 = arith.addi %scan3A_133, %scan3A_134 : i32
    %scan3A_136 = arith.constant 1 : i32
    scf.for %scan3A_616 = %scan3A_133 to %scan3A_135 step %scan3A_136  : i32 {
      %mul3A_617 = arith.constant 10 : i32
      %mul3A_618 = arith.muli %mul3A_617, %scan3A_616 : i32
      %add3A_619 = arith.constant 2 : i32
      %add3A_620 = arith.addi %mul3A_618, %add3A_619 : i32
      %add3A_621 = arith.constant 0 : i32
      %add3A_622 = arith.addi %add3A_620, %add3A_621 : i32
      %dma_wait3A_623 = arith.constant 0 : i32
      %dma_wait3A_624 = arith.constant 2 : i32
      %dma_wait3A_625 = arith.constant 0 : i32
      %dma_wait3A_626 = arith.constant 0 : i32
      %dma_wait3A_627 = tpu.memref_slice %arg6[%dma_wait3A_624, %dma_wait3A_625, %dma_wait3A_626] : memref<5x128x128xf32, #tpu.memory_space<vmem>> -> memref<1x128x128xf32, #tpu.memory_space<vmem>>
      %dma_wait3A_628 = tpu.memref_squeeze %dma_wait3A_627 : memref<1x128x128xf32, #tpu.memory_space<vmem>> -> memref<128x128xf32, #tpu.memory_space<vmem>>
      %dma_wait3A_629 = arith.constant 0 : i32
      %dma_wait3A_630 = tpu.memref_slice %arg5[%dma_wait3A_623, %dma_wait3A_629] : memref<200x128xi32, #tpu.memory_space<vmem>> -> memref<1x128xi32, #tpu.memory_space<vmem>>
      %dma_wait3A_631 = tpu.memref_squeeze %dma_wait3A_630 : memref<1x128xi32, #tpu.memory_space<vmem>> -> memref<128xi32, #tpu.memory_space<vmem>>
      %dma_wait3A_632 = arith.constant 0 : i32
      %dma_wait3A_633 = arith.constant 0 : i32
      %dma_wait3A_634 = tpu.memref_slice %arg7[%dma_wait3A_632, %dma_wait3A_633] : memref<1000x128xf32, #tpu.memory_space<vmem_shared>> -> memref<1000x128xf32, #tpu.memory_space<vmem_shared>>
      tpu.wait_indirect_dma semaphore(%arg10 : memref<!tpu.dma_semaphore, #tpu.memory_space<semaphore_mem>>) src(%dma_wait3A_634 : memref<1000x128xf32, #tpu.memory_space<vmem_shared>>) dst(%dma_wait3A_628 : memref<128x128xf32, #tpu.memory_space<vmem>>)
      %dma_wait3A_635 = arith.constant 0 : i32
      %dma_wait3A_636 = arith.constant 3 : i32
      %dma_wait3A_637 = arith.constant 0 : i32
      %dma_wait3A_638 = arith.constant 0 : i32
      %dma_wait3A_639 = tpu.memref_slice %arg6[%dma_wait3A_636, %dma_wait3A_637, %dma_wait3A_638] : memref<5x128x128xf32, #tpu.memory_space<vmem>> -> memref<1x128x128xf32, #tpu.memory_space<vmem>>
      %dma_wait3A_640 = tpu.memref_squeeze %dma_wait3A_639 : memref<1x128x128xf32, #tpu.memory_space<vmem>> -> memref<128x128xf32, #tpu.memory_space<vmem>>
      %dma_wait3A_641 = arith.constant 0 : i32
      %dma_wait3A_642 = tpu.memref_slice %arg5[%dma_wait3A_635, %dma_wait3A_641] : memref<200x128xi32, #tpu.memory_space<vmem>> -> memref<1x128xi32, #tpu.memory_space<vmem>>
      %dma_wait3A_643 = tpu.memref_squeeze %dma_wait3A_642 : memref<1x128xi32, #tpu.memory_space<vmem>> -> memref<128xi32, #tpu.memory_space<vmem>>
      %dma_wait3A_644 = arith.constant 0 : i32
      %dma_wait3A_645 = arith.constant 0 : i32
      %dma_wait3A_646 = tpu.memref_slice %arg7[%dma_wait3A_644, %dma_wait3A_645] : memref<1000x128xf32, #tpu.memory_space<vmem_shared>> -> memref<1000x128xf32, #tpu.memory_space<vmem_shared>>
      tpu.wait_indirect_dma semaphore(%arg11 : memref<!tpu.dma_semaphore, #tpu.memory_space<semaphore_mem>>) src(%dma_wait3A_646 : memref<1000x128xf32, #tpu.memory_space<vmem_shared>>) dst(%dma_wait3A_640 : memref<128x128xf32, #tpu.memory_space<vmem>>)
      %add3A_647 = arith.addi %mul3A_2, %add3A_622 : i32
      %dma_start3A_648 = arith.constant 2 : i32
      %dma_start3A_649 = arith.constant 0 : i32
      %dma_start3A_650 = arith.constant 0 : i32
      %dma_start3A_651 = tpu.memref_slice %arg6[%dma_start3A_648, %dma_start3A_649, %dma_start3A_650] : memref<5x128x128xf32, #tpu.memory_space<vmem>> -> memref<1x128x128xf32, #tpu.memory_space<vmem>>
      %dma_start3A_652 = tpu.memref_squeeze %dma_start3A_651 : memref<1x128x128xf32, #tpu.memory_space<vmem>> -> memref<128x128xf32, #tpu.memory_space<vmem>>
      %dma_start3A_653 = arith.constant 0 : i32
      %dma_start3A_654 = arith.constant 0 : i32
      %dma_start3A_655 = tpu.memref_slice %arg4[%add3A_647, %dma_start3A_653, %dma_start3A_654] : memref<6400x128x128xf32, #tpu.memory_space<hbm>> -> memref<1x128x128xf32, #tpu.memory_space<hbm>>
      %dma_start3A_656 = tpu.memref_squeeze %dma_start3A_655 : memref<1x128x128xf32, #tpu.memory_space<hbm>> -> memref<128x128xf32, #tpu.memory_space<hbm>>
      %dma_start3A_657 = arith.constant 0 : i32
      %dma_start3A_658 = arith.constant 0 : i32
      %dma_start3A_659 = tpu.memref_slice %arg4[%add3A_647, %dma_start3A_657, %dma_start3A_658] : memref<6400x128x128xf32, #tpu.memory_space<hbm>> -> memref<1x128x128xf32, #tpu.memory_space<hbm>>
      %dma_start3A_660 = tpu.memref_squeeze %dma_start3A_659 : memref<1x128x128xf32, #tpu.memory_space<hbm>> -> memref<128x128xf32, #tpu.memory_space<hbm>>
      %dma_start3A_661 = arith.constant 0 : i32
      %dma_start3A_662 = arith.constant 0 : i32
      %dma_start3A_663 = tpu.memref_slice %arg6[%dma_start3A_648, %dma_start3A_661, %dma_start3A_662] : memref<5x128x128xf32, #tpu.memory_space<vmem>> -> memref<1x128x128xf32, #tpu.memory_space<vmem>>
      %dma_start3A_664 = tpu.memref_squeeze %dma_start3A_663 : memref<1x128x128xf32, #tpu.memory_space<vmem>> -> memref<128x128xf32, #tpu.memory_space<vmem>>
      tpu.enqueue_dma source(%dma_start3A_664 : memref<128x128xf32, #tpu.memory_space<vmem>>) target(%dma_start3A_660 : memref<128x128xf32, #tpu.memory_space<hbm>>) target_semaphore(%arg15 : memref<!tpu.dma_semaphore, #tpu.memory_space<semaphore_mem>>)
      %add3A_665 = arith.constant 1 : i32
      %add3A_666 = arith.addi %add3A_622, %add3A_665 : i32
      %add3A_667 = arith.addi %mul3A_2, %add3A_666 : i32
      %dma_start3A_668 = arith.constant 3 : i32
      %dma_start3A_669 = arith.constant 0 : i32
      %dma_start3A_670 = arith.constant 0 : i32
      %dma_start3A_671 = tpu.memref_slice %arg6[%dma_start3A_668, %dma_start3A_669, %dma_start3A_670] : memref<5x128x128xf32, #tpu.memory_space<vmem>> -> memref<1x128x128xf32, #tpu.memory_space<vmem>>
      %dma_start3A_672 = tpu.memref_squeeze %dma_start3A_671 : memref<1x128x128xf32, #tpu.memory_space<vmem>> -> memref<128x128xf32, #tpu.memory_space<vmem>>
      %dma_start3A_673 = arith.constant 0 : i32
      %dma_start3A_674 = arith.constant 0 : i32
      %dma_start3A_675 = tpu.memref_slice %arg4[%add3A_667, %dma_start3A_673, %dma_start3A_674] : memref<6400x128x128xf32, #tpu.memory_space<hbm>> -> memref<1x128x128xf32, #tpu.memory_space<hbm>>
      %dma_start3A_676 = tpu.memref_squeeze %dma_start3A_675 : memref<1x128x128xf32, #tpu.memory_space<hbm>> -> memref<128x128xf32, #tpu.memory_space<hbm>>
      %dma_start3A_677 = arith.constant 0 : i32
      %dma_start3A_678 = arith.constant 0 : i32
      %dma_start3A_679 = tpu.memref_slice %arg4[%add3A_667, %dma_start3A_677, %dma_start3A_678] : memref<6400x128x128xf32, #tpu.memory_space<hbm>> -> memref<1x128x128xf32, #tpu.memory_space<hbm>>
      %dma_start3A_680 = tpu.memref_squeeze %dma_start3A_679 : memref<1x128x128xf32, #tpu.memory_space<hbm>> -> memref<128x128xf32, #tpu.memory_space<hbm>>
      %dma_start3A_681 = arith.constant 0 : i32
      %dma_start3A_682 = arith.constant 0 : i32
      %dma_start3A_683 = tpu.memref_slice %arg6[%dma_start3A_668, %dma_start3A_681, %dma_start3A_682] : memref<5x128x128xf32, #tpu.memory_space<vmem>> -> memref<1x128x128xf32, #tpu.memory_space<vmem>>
      %dma_start3A_684 = tpu.memref_squeeze %dma_start3A_683 : memref<1x128x128xf32, #tpu.memory_space<vmem>> -> memref<128x128xf32, #tpu.memory_space<vmem>>
      tpu.enqueue_dma source(%dma_start3A_684 : memref<128x128xf32, #tpu.memory_space<vmem>>) target(%dma_start3A_680 : memref<128x128xf32, #tpu.memory_space<hbm>>) target_semaphore(%arg16 : memref<!tpu.dma_semaphore, #tpu.memory_space<semaphore_mem>>)
      %dma_wait3A_685 = arith.constant 0 : i32
      %dma_wait3A_686 = arith.constant 0 : i32
      %dma_wait3A_687 = arith.constant 0 : i32
      %dma_wait3A_688 = tpu.memref_slice %arg6[%dma_wait3A_685, %dma_wait3A_686, %dma_wait3A_687] : memref<5x128x128xf32, #tpu.memory_space<vmem>> -> memref<1x128x128xf32, #tpu.memory_space<vmem>>
      %dma_wait3A_689 = tpu.memref_squeeze %dma_wait3A_688 : memref<1x128x128xf32, #tpu.memory_space<vmem>> -> memref<128x128xf32, #tpu.memory_space<vmem>>
      %dma_wait3A_690 = arith.constant 0 : i32
      %dma_wait3A_691 = arith.constant 0 : i32
      %dma_wait3A_692 = tpu.memref_slice %arg4[%mul3A_2, %dma_wait3A_690, %dma_wait3A_691] : memref<6400x128x128xf32, #tpu.memory_space<hbm>> -> memref<1x128x128xf32, #tpu.memory_space<hbm>>
      %dma_wait3A_693 = tpu.memref_squeeze %dma_wait3A_692 : memref<1x128x128xf32, #tpu.memory_space<hbm>> -> memref<128x128xf32, #tpu.memory_space<hbm>>
      %dma_wait3A_694 = arith.constant 0 : i32
      %dma_wait3A_695 = arith.constant 0 : i32
      %dma_wait3A_696 = tpu.memref_slice %arg4[%mul3A_2, %dma_wait3A_694, %dma_wait3A_695] : memref<6400x128x128xf32, #tpu.memory_space<hbm>> -> memref<1x128x128xf32, #tpu.memory_space<hbm>>
      %dma_wait3A_697 = tpu.memref_squeeze %dma_wait3A_696 : memref<1x128x128xf32, #tpu.memory_space<hbm>> -> memref<128x128xf32, #tpu.memory_space<hbm>>
      %dma_wait3A_698 = arith.constant 0 : i32
      %dma_wait3A_699 = arith.constant 0 : i32
      %dma_wait3A_700 = tpu.memref_slice %arg6[%dma_wait3A_685, %dma_wait3A_698, %dma_wait3A_699] : memref<5x128x128xf32, #tpu.memory_space<vmem>> -> memref<1x128x128xf32, #tpu.memory_space<vmem>>
      %dma_wait3A_701 = tpu.memref_squeeze %dma_wait3A_700 : memref<1x128x128xf32, #tpu.memory_space<vmem>> -> memref<128x128xf32, #tpu.memory_space<vmem>>
      tpu.wait_dma2 semaphore(%arg13 : memref<!tpu.dma_semaphore, #tpu.memory_space<semaphore_mem>>) src(%dma_wait3A_701 : memref<128x128xf32, #tpu.memory_space<vmem>>) dst(%dma_wait3A_697 : memref<128x128xf32, #tpu.memory_space<hbm>>)
      %dma_wait3A_702 = arith.constant 1 : i32
      %dma_wait3A_703 = arith.constant 0 : i32
      %dma_wait3A_704 = arith.constant 0 : i32
      %dma_wait3A_705 = tpu.memref_slice %arg6[%dma_wait3A_702, %dma_wait3A_703, %dma_wait3A_704] : memref<5x128x128xf32, #tpu.memory_space<vmem>> -> memref<1x128x128xf32, #tpu.memory_space<vmem>>
      %dma_wait3A_706 = tpu.memref_squeeze %dma_wait3A_705 : memref<1x128x128xf32, #tpu.memory_space<vmem>> -> memref<128x128xf32, #tpu.memory_space<vmem>>
      %dma_wait3A_707 = arith.constant 0 : i32
      %dma_wait3A_708 = arith.constant 0 : i32
      %dma_wait3A_709 = tpu.memref_slice %arg4[%mul3A_2, %dma_wait3A_707, %dma_wait3A_708] : memref<6400x128x128xf32, #tpu.memory_space<hbm>> -> memref<1x128x128xf32, #tpu.memory_space<hbm>>
      %dma_wait3A_710 = tpu.memref_squeeze %dma_wait3A_709 : memref<1x128x128xf32, #tpu.memory_space<hbm>> -> memref<128x128xf32, #tpu.memory_space<hbm>>
      %dma_wait3A_711 = arith.constant 0 : i32
      %dma_wait3A_712 = arith.constant 0 : i32
      %dma_wait3A_713 = tpu.memref_slice %arg4[%mul3A_2, %dma_wait3A_711, %dma_wait3A_712] : memref<6400x128x128xf32, #tpu.memory_space<hbm>> -> memref<1x128x128xf32, #tpu.memory_space<hbm>>
      %dma_wait3A_714 = tpu.memref_squeeze %dma_wait3A_713 : memref<1x128x128xf32, #tpu.memory_space<hbm>> -> memref<128x128xf32, #tpu.memory_space<hbm>>
      %dma_wait3A_715 = arith.constant 0 : i32
      %dma_wait3A_716 = arith.constant 0 : i32
      %dma_wait3A_717 = tpu.memref_slice %arg6[%dma_wait3A_702, %dma_wait3A_715, %dma_wait3A_716] : memref<5x128x128xf32, #tpu.memory_space<vmem>> -> memref<1x128x128xf32, #tpu.memory_space<vmem>>
      %dma_wait3A_718 = tpu.memref_squeeze %dma_wait3A_717 : memref<1x128x128xf32, #tpu.memory_space<vmem>> -> memref<128x128xf32, #tpu.memory_space<vmem>>
      tpu.wait_dma2 semaphore(%arg14 : memref<!tpu.dma_semaphore, #tpu.memory_space<semaphore_mem>>) src(%dma_wait3A_718 : memref<128x128xf32, #tpu.memory_space<vmem>>) dst(%dma_wait3A_714 : memref<128x128xf32, #tpu.memory_space<hbm>>)
      %add3A_719 = arith.constant 3 : i32
      %add3A_720 = arith.addi %add3A_622, %add3A_719 : i32
      %dma_start3A_721 = arith.constant 0 : i32
      %dma_start3A_722 = arith.constant 0 : i32
      %dma_start3A_723 = arith.constant 0 : i32
      %dma_start3A_724 = tpu.memref_slice %arg6[%dma_start3A_721, %dma_start3A_722, %dma_start3A_723] : memref<5x128x128xf32, #tpu.memory_space<vmem>> -> memref<1x128x128xf32, #tpu.memory_space<vmem>>
      %dma_start3A_725 = tpu.memref_squeeze %dma_start3A_724 : memref<1x128x128xf32, #tpu.memory_space<vmem>> -> memref<128x128xf32, #tpu.memory_space<vmem>>
      %dma_start3A_726 = arith.constant 0 : i32
      %dma_start3A_727 = tpu.memref_slice %arg5[%add3A_720, %dma_start3A_726] : memref<200x128xi32, #tpu.memory_space<vmem>> -> memref<1x128xi32, #tpu.memory_space<vmem>>
      %dma_start3A_728 = tpu.memref_squeeze %dma_start3A_727 : memref<1x128xi32, #tpu.memory_space<vmem>> -> memref<128xi32, #tpu.memory_space<vmem>>
      %dma_start3A_729 = arith.constant 0 : i32
      %dma_start3A_730 = arith.constant 0 : i32
      %dma_start3A_731 = tpu.memref_slice %arg7[%dma_start3A_729, %dma_start3A_730] : memref<1000x128xf32, #tpu.memory_space<vmem_shared>> -> memref<1000x128xf32, #tpu.memory_space<vmem_shared>>
      tpu.enqueue_indirect_dma source(%dma_start3A_731 : memref<1000x128xf32, #tpu.memory_space<vmem_shared>>) target(%dma_start3A_725 : memref<128x128xf32, #tpu.memory_space<vmem>>) offsets(%dma_start3A_728 : memref<128xi32, #tpu.memory_space<vmem>>) semaphore(%arg8 : memref<!tpu.dma_semaphore, #tpu.memory_space<semaphore_mem>>)
      %add3A_732 = arith.constant 4 : i32
      %add3A_733 = arith.addi %add3A_622, %add3A_732 : i32
      %dma_start3A_734 = arith.constant 1 : i32
      %dma_start3A_735 = arith.constant 0 : i32
      %dma_start3A_736 = arith.constant 0 : i32
      %dma_start3A_737 = tpu.memref_slice %arg6[%dma_start3A_734, %dma_start3A_735, %dma_start3A_736] : memref<5x128x128xf32, #tpu.memory_space<vmem>> -> memref<1x128x128xf32, #tpu.memory_space<vmem>>
      %dma_start3A_738 = tpu.memref_squeeze %dma_start3A_737 : memref<1x128x128xf32, #tpu.memory_space<vmem>> -> memref<128x128xf32, #tpu.memory_space<vmem>>
      %dma_start3A_739 = arith.constant 0 : i32
      %dma_start3A_740 = tpu.memref_slice %arg5[%add3A_733, %dma_start3A_739] : memref<200x128xi32, #tpu.memory_space<vmem>> -> memref<1x128xi32, #tpu.memory_space<vmem>>
      %dma_start3A_741 = tpu.memref_squeeze %dma_start3A_740 : memref<1x128xi32, #tpu.memory_space<vmem>> -> memref<128xi32, #tpu.memory_space<vmem>>
      %dma_start3A_742 = arith.constant 0 : i32
      %dma_start3A_743 = arith.constant 0 : i32
      %dma_start3A_744 = tpu.memref_slice %arg7[%dma_start3A_742, %dma_start3A_743] : memref<1000x128xf32, #tpu.memory_space<vmem_shared>> -> memref<1000x128xf32, #tpu.memory_space<vmem_shared>>
      tpu.enqueue_indirect_dma source(%dma_start3A_744 : memref<1000x128xf32, #tpu.memory_space<vmem_shared>>) target(%dma_start3A_738 : memref<128x128xf32, #tpu.memory_space<vmem>>) offsets(%dma_start3A_741 : memref<128xi32, #tpu.memory_space<vmem>>) semaphore(%arg9 : memref<!tpu.dma_semaphore, #tpu.memory_space<semaphore_mem>>)
      %add3A_745 = arith.constant 2 : i32
      %add3A_746 = arith.addi %add3A_620, %add3A_745 : i32
      %dma_wait3A_747 = arith.constant 0 : i32
      %dma_wait3A_748 = arith.constant 4 : i32
      %dma_wait3A_749 = arith.constant 0 : i32
      %dma_wait3A_750 = arith.constant 0 : i32
      %dma_wait3A_751 = tpu.memref_slice %arg6[%dma_wait3A_748, %dma_wait3A_749, %dma_wait3A_750] : memref<5x128x128xf32, #tpu.memory_space<vmem>> -> memref<1x128x128xf32, #tpu.memory_space<vmem>>
      %dma_wait3A_752 = tpu.memref_squeeze %dma_wait3A_751 : memref<1x128x128xf32, #tpu.memory_space<vmem>> -> memref<128x128xf32, #tpu.memory_space<vmem>>
      %dma_wait3A_753 = arith.constant 0 : i32
      %dma_wait3A_754 = tpu.memref_slice %arg5[%dma_wait3A_747, %dma_wait3A_753] : memref<200x128xi32, #tpu.memory_space<vmem>> -> memref<1x128xi32, #tpu.memory_space<vmem>>
      %dma_wait3A_755 = tpu.memref_squeeze %dma_wait3A_754 : memref<1x128xi32, #tpu.memory_space<vmem>> -> memref<128xi32, #tpu.memory_space<vmem>>
      %dma_wait3A_756 = arith.constant 0 : i32
      %dma_wait3A_757 = arith.constant 0 : i32
      %dma_wait3A_758 = tpu.memref_slice %arg7[%dma_wait3A_756, %dma_wait3A_757] : memref<1000x128xf32, #tpu.memory_space<vmem_shared>> -> memref<1000x128xf32, #tpu.memory_space<vmem_shared>>
      tpu.wait_indirect_dma semaphore(%arg12 : memref<!tpu.dma_semaphore, #tpu.memory_space<semaphore_mem>>) src(%dma_wait3A_758 : memref<1000x128xf32, #tpu.memory_space<vmem_shared>>) dst(%dma_wait3A_752 : memref<128x128xf32, #tpu.memory_space<vmem>>)
      %dma_wait3A_759 = arith.constant 0 : i32
      %dma_wait3A_760 = arith.constant 0 : i32
      %dma_wait3A_761 = arith.constant 0 : i32
      %dma_wait3A_762 = arith.constant 0 : i32
      %dma_wait3A_763 = tpu.memref_slice %arg6[%dma_wait3A_760, %dma_wait3A_761, %dma_wait3A_762] : memref<5x128x128xf32, #tpu.memory_space<vmem>> -> memref<1x128x128xf32, #tpu.memory_space<vmem>>
      %dma_wait3A_764 = tpu.memref_squeeze %dma_wait3A_763 : memref<1x128x128xf32, #tpu.memory_space<vmem>> -> memref<128x128xf32, #tpu.memory_space<vmem>>
      %dma_wait3A_765 = arith.constant 0 : i32
      %dma_wait3A_766 = tpu.memref_slice %arg5[%dma_wait3A_759, %dma_wait3A_765] : memref<200x128xi32, #tpu.memory_space<vmem>> -> memref<1x128xi32, #tpu.memory_space<vmem>>
      %dma_wait3A_767 = tpu.memref_squeeze %dma_wait3A_766 : memref<1x128xi32, #tpu.memory_space<vmem>> -> memref<128xi32, #tpu.memory_space<vmem>>
      %dma_wait3A_768 = arith.constant 0 : i32
      %dma_wait3A_769 = arith.constant 0 : i32
      %dma_wait3A_770 = tpu.memref_slice %arg7[%dma_wait3A_768, %dma_wait3A_769] : memref<1000x128xf32, #tpu.memory_space<vmem_shared>> -> memref<1000x128xf32, #tpu.memory_space<vmem_shared>>
      tpu.wait_indirect_dma semaphore(%arg8 : memref<!tpu.dma_semaphore, #tpu.memory_space<semaphore_mem>>) src(%dma_wait3A_770 : memref<1000x128xf32, #tpu.memory_space<vmem_shared>>) dst(%dma_wait3A_764 : memref<128x128xf32, #tpu.memory_space<vmem>>)
      %add3A_771 = arith.addi %mul3A_2, %add3A_746 : i32
      %dma_start3A_772 = arith.constant 4 : i32
      %dma_start3A_773 = arith.constant 0 : i32
      %dma_start3A_774 = arith.constant 0 : i32
      %dma_start3A_775 = tpu.memref_slice %arg6[%dma_start3A_772, %dma_start3A_773, %dma_start3A_774] : memref<5x128x128xf32, #tpu.memory_space<vmem>> -> memref<1x128x128xf32, #tpu.memory_space<vmem>>
      %dma_start3A_776 = tpu.memref_squeeze %dma_start3A_775 : memref<1x128x128xf32, #tpu.memory_space<vmem>> -> memref<128x128xf32, #tpu.memory_space<vmem>>
      %dma_start3A_777 = arith.constant 0 : i32
      %dma_start3A_778 = arith.constant 0 : i32
      %dma_start3A_779 = tpu.memref_slice %arg4[%add3A_771, %dma_start3A_777, %dma_start3A_778] : memref<6400x128x128xf32, #tpu.memory_space<hbm>> -> memref<1x128x128xf32, #tpu.memory_space<hbm>>
      %dma_start3A_780 = tpu.memref_squeeze %dma_start3A_779 : memref<1x128x128xf32, #tpu.memory_space<hbm>> -> memref<128x128xf32, #tpu.memory_space<hbm>>
      %dma_start3A_781 = arith.constant 0 : i32
      %dma_start3A_782 = arith.constant 0 : i32
      %dma_start3A_783 = tpu.memref_slice %arg4[%add3A_771, %dma_start3A_781, %dma_start3A_782] : memref<6400x128x128xf32, #tpu.memory_space<hbm>> -> memref<1x128x128xf32, #tpu.memory_space<hbm>>
      %dma_start3A_784 = tpu.memref_squeeze %dma_start3A_783 : memref<1x128x128xf32, #tpu.memory_space<hbm>> -> memref<128x128xf32, #tpu.memory_space<hbm>>
      %dma_start3A_785 = arith.constant 0 : i32
      %dma_start3A_786 = arith.constant 0 : i32
      %dma_start3A_787 = tpu.memref_slice %arg6[%dma_start3A_772, %dma_start3A_785, %dma_start3A_786] : memref<5x128x128xf32, #tpu.memory_space<vmem>> -> memref<1x128x128xf32, #tpu.memory_space<vmem>>
      %dma_start3A_788 = tpu.memref_squeeze %dma_start3A_787 : memref<1x128x128xf32, #tpu.memory_space<vmem>> -> memref<128x128xf32, #tpu.memory_space<vmem>>
      tpu.enqueue_dma source(%dma_start3A_788 : memref<128x128xf32, #tpu.memory_space<vmem>>) target(%dma_start3A_784 : memref<128x128xf32, #tpu.memory_space<hbm>>) target_semaphore(%arg17 : memref<!tpu.dma_semaphore, #tpu.memory_space<semaphore_mem>>)
      %add3A_789 = arith.constant 1 : i32
      %add3A_790 = arith.addi %add3A_746, %add3A_789 : i32
      %add3A_791 = arith.addi %mul3A_2, %add3A_790 : i32
      %dma_start3A_792 = arith.constant 0 : i32
      %dma_start3A_793 = arith.constant 0 : i32
      %dma_start3A_794 = arith.constant 0 : i32
      %dma_start3A_795 = tpu.memref_slice %arg6[%dma_start3A_792, %dma_start3A_793, %dma_start3A_794] : memref<5x128x128xf32, #tpu.memory_space<vmem>> -> memref<1x128x128xf32, #tpu.memory_space<vmem>>
      %dma_start3A_796 = tpu.memref_squeeze %dma_start3A_795 : memref<1x128x128xf32, #tpu.memory_space<vmem>> -> memref<128x128xf32, #tpu.memory_space<vmem>>
      %dma_start3A_797 = arith.constant 0 : i32
      %dma_start3A_798 = arith.constant 0 : i32
      %dma_start3A_799 = tpu.memref_slice %arg4[%add3A_791, %dma_start3A_797, %dma_start3A_798] : memref<6400x128x128xf32, #tpu.memory_space<hbm>> -> memref<1x128x128xf32, #tpu.memory_space<hbm>>
      %dma_start3A_800 = tpu.memref_squeeze %dma_start3A_799 : memref<1x128x128xf32, #tpu.memory_space<hbm>> -> memref<128x128xf32, #tpu.memory_space<hbm>>
      %dma_start3A_801 = arith.constant 0 : i32
      %dma_start3A_802 = arith.constant 0 : i32
      %dma_start3A_803 = tpu.memref_slice %arg4[%add3A_791, %dma_start3A_801, %dma_start3A_802] : memref<6400x128x128xf32, #tpu.memory_space<hbm>> -> memref<1x128x128xf32, #tpu.memory_space<hbm>>
      %dma_start3A_804 = tpu.memref_squeeze %dma_start3A_803 : memref<1x128x128xf32, #tpu.memory_space<hbm>> -> memref<128x128xf32, #tpu.memory_space<hbm>>
      %dma_start3A_805 = arith.constant 0 : i32
      %dma_start3A_806 = arith.constant 0 : i32
      %dma_start3A_807 = tpu.memref_slice %arg6[%dma_start3A_792, %dma_start3A_805, %dma_start3A_806] : memref<5x128x128xf32, #tpu.memory_space<vmem>> -> memref<1x128x128xf32, #tpu.memory_space<vmem>>
      %dma_start3A_808 = tpu.memref_squeeze %dma_start3A_807 : memref<1x128x128xf32, #tpu.memory_space<vmem>> -> memref<128x128xf32, #tpu.memory_space<vmem>>
      tpu.enqueue_dma source(%dma_start3A_808 : memref<128x128xf32, #tpu.memory_space<vmem>>) target(%dma_start3A_804 : memref<128x128xf32, #tpu.memory_space<hbm>>) target_semaphore(%arg13 : memref<!tpu.dma_semaphore, #tpu.memory_space<semaphore_mem>>)
      %dma_wait3A_809 = arith.constant 2 : i32
      %dma_wait3A_810 = arith.constant 0 : i32
      %dma_wait3A_811 = arith.constant 0 : i32
      %dma_wait3A_812 = tpu.memref_slice %arg6[%dma_wait3A_809, %dma_wait3A_810, %dma_wait3A_811] : memref<5x128x128xf32, #tpu.memory_space<vmem>> -> memref<1x128x128xf32, #tpu.memory_space<vmem>>
      %dma_wait3A_813 = tpu.memref_squeeze %dma_wait3A_812 : memref<1x128x128xf32, #tpu.memory_space<vmem>> -> memref<128x128xf32, #tpu.memory_space<vmem>>
      %dma_wait3A_814 = arith.constant 0 : i32
      %dma_wait3A_815 = arith.constant 0 : i32
      %dma_wait3A_816 = tpu.memref_slice %arg4[%mul3A_2, %dma_wait3A_814, %dma_wait3A_815] : memref<6400x128x128xf32, #tpu.memory_space<hbm>> -> memref<1x128x128xf32, #tpu.memory_space<hbm>>
      %dma_wait3A_817 = tpu.memref_squeeze %dma_wait3A_816 : memref<1x128x128xf32, #tpu.memory_space<hbm>> -> memref<128x128xf32, #tpu.memory_space<hbm>>
      %dma_wait3A_818 = arith.constant 0 : i32
      %dma_wait3A_819 = arith.constant 0 : i32
      %dma_wait3A_820 = tpu.memref_slice %arg4[%mul3A_2, %dma_wait3A_818, %dma_wait3A_819] : memref<6400x128x128xf32, #tpu.memory_space<hbm>> -> memref<1x128x128xf32, #tpu.memory_space<hbm>>
      %dma_wait3A_821 = tpu.memref_squeeze %dma_wait3A_820 : memref<1x128x128xf32, #tpu.memory_space<hbm>> -> memref<128x128xf32, #tpu.memory_space<hbm>>
      %dma_wait3A_822 = arith.constant 0 : i32
      %dma_wait3A_823 = arith.constant 0 : i32
      %dma_wait3A_824 = tpu.memref_slice %arg6[%dma_wait3A_809, %dma_wait3A_822, %dma_wait3A_823] : memref<5x128x128xf32, #tpu.memory_space<vmem>> -> memref<1x128x128xf32, #tpu.memory_space<vmem>>
      %dma_wait3A_825 = tpu.memref_squeeze %dma_wait3A_824 : memref<1x128x128xf32, #tpu.memory_space<vmem>> -> memref<128x128xf32, #tpu.memory_space<vmem>>
      tpu.wait_dma2 semaphore(%arg15 : memref<!tpu.dma_semaphore, #tpu.memory_space<semaphore_mem>>) src(%dma_wait3A_825 : memref<128x128xf32, #tpu.memory_space<vmem>>) dst(%dma_wait3A_821 : memref<128x128xf32, #tpu.memory_space<hbm>>)
      %dma_wait3A_826 = arith.constant 3 : i32
      %dma_wait3A_827 = arith.constant 0 : i32
      %dma_wait3A_828 = arith.constant 0 : i32
      %dma_wait3A_829 = tpu.memref_slice %arg6[%dma_wait3A_826, %dma_wait3A_827, %dma_wait3A_828] : memref<5x128x128xf32, #tpu.memory_space<vmem>> -> memref<1x128x128xf32, #tpu.memory_space<vmem>>
      %dma_wait3A_830 = tpu.memref_squeeze %dma_wait3A_829 : memref<1x128x128xf32, #tpu.memory_space<vmem>> -> memref<128x128xf32, #tpu.memory_space<vmem>>
      %dma_wait3A_831 = arith.constant 0 : i32
      %dma_wait3A_832 = arith.constant 0 : i32
      %dma_wait3A_833 = tpu.memref_slice %arg4[%mul3A_2, %dma_wait3A_831, %dma_wait3A_832] : memref<6400x128x128xf32, #tpu.memory_space<hbm>> -> memref<1x128x128xf32, #tpu.memory_space<hbm>>
      %dma_wait3A_834 = tpu.memref_squeeze %dma_wait3A_833 : memref<1x128x128xf32, #tpu.memory_space<hbm>> -> memref<128x128xf32, #tpu.memory_space<hbm>>
      %dma_wait3A_835 = arith.constant 0 : i32
      %dma_wait3A_836 = arith.constant 0 : i32
      %dma_wait3A_837 = tpu.memref_slice %arg4[%mul3A_2, %dma_wait3A_835, %dma_wait3A_836] : memref<6400x128x128xf32, #tpu.memory_space<hbm>> -> memref<1x128x128xf32, #tpu.memory_space<hbm>>
      %dma_wait3A_838 = tpu.memref_squeeze %dma_wait3A_837 : memref<1x128x128xf32, #tpu.memory_space<hbm>> -> memref<128x128xf32, #tpu.memory_space<hbm>>
      %dma_wait3A_839 = arith.constant 0 : i32
      %dma_wait3A_840 = arith.constant 0 : i32
      %dma_wait3A_841 = tpu.memref_slice %arg6[%dma_wait3A_826, %dma_wait3A_839, %dma_wait3A_840] : memref<5x128x128xf32, #tpu.memory_space<vmem>> -> memref<1x128x128xf32, #tpu.memory_space<vmem>>
      %dma_wait3A_842 = tpu.memref_squeeze %dma_wait3A_841 : memref<1x128x128xf32, #tpu.memory_space<vmem>> -> memref<128x128xf32, #tpu.memory_space<vmem>>
      tpu.wait_dma2 semaphore(%arg16 : memref<!tpu.dma_semaphore, #tpu.memory_space<semaphore_mem>>) src(%dma_wait3A_842 : memref<128x128xf32, #tpu.memory_space<vmem>>) dst(%dma_wait3A_838 : memref<128x128xf32, #tpu.memory_space<hbm>>)
      %add3A_843 = arith.constant 3 : i32
      %add3A_844 = arith.addi %add3A_746, %add3A_843 : i32
      %dma_start3A_845 = arith.constant 2 : i32
      %dma_start3A_846 = arith.constant 0 : i32
      %dma_start3A_847 = arith.constant 0 : i32
      %dma_start3A_848 = tpu.memref_slice %arg6[%dma_start3A_845, %dma_start3A_846, %dma_start3A_847] : memref<5x128x128xf32, #tpu.memory_space<vmem>> -> memref<1x128x128xf32, #tpu.memory_space<vmem>>
      %dma_start3A_849 = tpu.memref_squeeze %dma_start3A_848 : memref<1x128x128xf32, #tpu.memory_space<vmem>> -> memref<128x128xf32, #tpu.memory_space<vmem>>
      %dma_start3A_850 = arith.constant 0 : i32
      %dma_start3A_851 = tpu.memref_slice %arg5[%add3A_844, %dma_start3A_850] : memref<200x128xi32, #tpu.memory_space<vmem>> -> memref<1x128xi32, #tpu.memory_space<vmem>>
      %dma_start3A_852 = tpu.memref_squeeze %dma_start3A_851 : memref<1x128xi32, #tpu.memory_space<vmem>> -> memref<128xi32, #tpu.memory_space<vmem>>
      %dma_start3A_853 = arith.constant 0 : i32
      %dma_start3A_854 = arith.constant 0 : i32
      %dma_start3A_855 = tpu.memref_slice %arg7[%dma_start3A_853, %dma_start3A_854] : memref<1000x128xf32, #tpu.memory_space<vmem_shared>> -> memref<1000x128xf32, #tpu.memory_space<vmem_shared>>
      tpu.enqueue_indirect_dma source(%dma_start3A_855 : memref<1000x128xf32, #tpu.memory_space<vmem_shared>>) target(%dma_start3A_849 : memref<128x128xf32, #tpu.memory_space<vmem>>) offsets(%dma_start3A_852 : memref<128xi32, #tpu.memory_space<vmem>>) semaphore(%arg10 : memref<!tpu.dma_semaphore, #tpu.memory_space<semaphore_mem>>)
      %add3A_856 = arith.constant 4 : i32
      %add3A_857 = arith.addi %add3A_746, %add3A_856 : i32
      %dma_start3A_858 = arith.constant 3 : i32
      %dma_start3A_859 = arith.constant 0 : i32
      %dma_start3A_860 = arith.constant 0 : i32
      %dma_start3A_861 = tpu.memref_slice %arg6[%dma_start3A_858, %dma_start3A_859, %dma_start3A_860] : memref<5x128x128xf32, #tpu.memory_space<vmem>> -> memref<1x128x128xf32, #tpu.memory_space<vmem>>
      %dma_start3A_862 = tpu.memref_squeeze %dma_start3A_861 : memref<1x128x128xf32, #tpu.memory_space<vmem>> -> memref<128x128xf32, #tpu.memory_space<vmem>>
      %dma_start3A_863 = arith.constant 0 : i32
      %dma_start3A_864 = tpu.memref_slice %arg5[%add3A_857, %dma_start3A_863] : memref<200x128xi32, #tpu.memory_space<vmem>> -> memref<1x128xi32, #tpu.memory_space<vmem>>
      %dma_start3A_865 = tpu.memref_squeeze %dma_start3A_864 : memref<1x128xi32, #tpu.memory_space<vmem>> -> memref<128xi32, #tpu.memory_space<vmem>>
      %dma_start3A_866 = arith.constant 0 : i32
      %dma_start3A_867 = arith.constant 0 : i32
      %dma_start3A_868 = tpu.memref_slice %arg7[%dma_start3A_866, %dma_start3A_867] : memref<1000x128xf32, #tpu.memory_space<vmem_shared>> -> memref<1000x128xf32, #tpu.memory_space<vmem_shared>>
      tpu.enqueue_indirect_dma source(%dma_start3A_868 : memref<1000x128xf32, #tpu.memory_space<vmem_shared>>) target(%dma_start3A_862 : memref<128x128xf32, #tpu.memory_space<vmem>>) offsets(%dma_start3A_865 : memref<128xi32, #tpu.memory_space<vmem>>) semaphore(%arg11 : memref<!tpu.dma_semaphore, #tpu.memory_space<semaphore_mem>>)
      %add3A_869 = arith.constant 4 : i32
      %add3A_870 = arith.addi %add3A_620, %add3A_869 : i32
      %dma_wait3A_871 = arith.constant 0 : i32
      %dma_wait3A_872 = arith.constant 1 : i32
      %dma_wait3A_873 = arith.constant 0 : i32
      %dma_wait3A_874 = arith.constant 0 : i32
      %dma_wait3A_875 = tpu.memref_slice %arg6[%dma_wait3A_872, %dma_wait3A_873, %dma_wait3A_874] : memref<5x128x128xf32, #tpu.memory_space<vmem>> -> memref<1x128x128xf32, #tpu.memory_space<vmem>>
      %dma_wait3A_876 = tpu.memref_squeeze %dma_wait3A_875 : memref<1x128x128xf32, #tpu.memory_space<vmem>> -> memref<128x128xf32, #tpu.memory_space<vmem>>
      %dma_wait3A_877 = arith.constant 0 : i32
      %dma_wait3A_878 = tpu.memref_slice %arg5[%dma_wait3A_871, %dma_wait3A_877] : memref<200x128xi32, #tpu.memory_space<vmem>> -> memref<1x128xi32, #tpu.memory_space<vmem>>
      %dma_wait3A_879 = tpu.memref_squeeze %dma_wait3A_878 : memref<1x128xi32, #tpu.memory_space<vmem>> -> memref<128xi32, #tpu.memory_space<vmem>>
      %dma_wait3A_880 = arith.constant 0 : i32
      %dma_wait3A_881 = arith.constant 0 : i32
      %dma_wait3A_882 = tpu.memref_slice %arg7[%dma_wait3A_880, %dma_wait3A_881] : memref<1000x128xf32, #tpu.memory_space<vmem_shared>> -> memref<1000x128xf32, #tpu.memory_space<vmem_shared>>
      tpu.wait_indirect_dma semaphore(%arg9 : memref<!tpu.dma_semaphore, #tpu.memory_space<semaphore_mem>>) src(%dma_wait3A_882 : memref<1000x128xf32, #tpu.memory_space<vmem_shared>>) dst(%dma_wait3A_876 : memref<128x128xf32, #tpu.memory_space<vmem>>)
      %dma_wait3A_883 = arith.constant 0 : i32
      %dma_wait3A_884 = arith.constant 2 : i32
      %dma_wait3A_885 = arith.constant 0 : i32
      %dma_wait3A_886 = arith.constant 0 : i32
      %dma_wait3A_887 = tpu.memref_slice %arg6[%dma_wait3A_884, %dma_wait3A_885, %dma_wait3A_886] : memref<5x128x128xf32, #tpu.memory_space<vmem>> -> memref<1x128x128xf32, #tpu.memory_space<vmem>>
      %dma_wait3A_888 = tpu.memref_squeeze %dma_wait3A_887 : memref<1x128x128xf32, #tpu.memory_space<vmem>> -> memref<128x128xf32, #tpu.memory_space<vmem>>
      %dma_wait3A_889 = arith.constant 0 : i32
      %dma_wait3A_890 = tpu.memref_slice %arg5[%dma_wait3A_883, %dma_wait3A_889] : memref<200x128xi32, #tpu.memory_space<vmem>> -> memref<1x128xi32, #tpu.memory_space<vmem>>
      %dma_wait3A_891 = tpu.memref_squeeze %dma_wait3A_890 : memref<1x128xi32, #tpu.memory_space<vmem>> -> memref<128xi32, #tpu.memory_space<vmem>>
      %dma_wait3A_892 = arith.constant 0 : i32
      %dma_wait3A_893 = arith.constant 0 : i32
      %dma_wait3A_894 = tpu.memref_slice %arg7[%dma_wait3A_892, %dma_wait3A_893] : memref<1000x128xf32, #tpu.memory_space<vmem_shared>> -> memref<1000x128xf32, #tpu.memory_space<vmem_shared>>
      tpu.wait_indirect_dma semaphore(%arg10 : memref<!tpu.dma_semaphore, #tpu.memory_space<semaphore_mem>>) src(%dma_wait3A_894 : memref<1000x128xf32, #tpu.memory_space<vmem_shared>>) dst(%dma_wait3A_888 : memref<128x128xf32, #tpu.memory_space<vmem>>)
      %add3A_895 = arith.addi %mul3A_2, %add3A_870 : i32
      %dma_start3A_896 = arith.constant 1 : i32
      %dma_start3A_897 = arith.constant 0 : i32
      %dma_start3A_898 = arith.constant 0 : i32
      %dma_start3A_899 = tpu.memref_slice %arg6[%dma_start3A_896, %dma_start3A_897, %dma_start3A_898] : memref<5x128x128xf32, #tpu.memory_space<vmem>> -> memref<1x128x128xf32, #tpu.memory_space<vmem>>
      %dma_start3A_900 = tpu.memref_squeeze %dma_start3A_899 : memref<1x128x128xf32, #tpu.memory_space<vmem>> -> memref<128x128xf32, #tpu.memory_space<vmem>>
      %dma_start3A_901 = arith.constant 0 : i32
      %dma_start3A_902 = arith.constant 0 : i32
      %dma_start3A_903 = tpu.memref_slice %arg4[%add3A_895, %dma_start3A_901, %dma_start3A_902] : memref<6400x128x128xf32, #tpu.memory_space<hbm>> -> memref<1x128x128xf32, #tpu.memory_space<hbm>>
      %dma_start3A_904 = tpu.memref_squeeze %dma_start3A_903 : memref<1x128x128xf32, #tpu.memory_space<hbm>> -> memref<128x128xf32, #tpu.memory_space<hbm>>
      %dma_start3A_905 = arith.constant 0 : i32
      %dma_start3A_906 = arith.constant 0 : i32
      %dma_start3A_907 = tpu.memref_slice %arg4[%add3A_895, %dma_start3A_905, %dma_start3A_906] : memref<6400x128x128xf32, #tpu.memory_space<hbm>> -> memref<1x128x128xf32, #tpu.memory_space<hbm>>
      %dma_start3A_908 = tpu.memref_squeeze %dma_start3A_907 : memref<1x128x128xf32, #tpu.memory_space<hbm>> -> memref<128x128xf32, #tpu.memory_space<hbm>>
      %dma_start3A_909 = arith.constant 0 : i32
      %dma_start3A_910 = arith.constant 0 : i32
      %dma_start3A_911 = tpu.memref_slice %arg6[%dma_start3A_896, %dma_start3A_909, %dma_start3A_910] : memref<5x128x128xf32, #tpu.memory_space<vmem>> -> memref<1x128x128xf32, #tpu.memory_space<vmem>>
      %dma_start3A_912 = tpu.memref_squeeze %dma_start3A_911 : memref<1x128x128xf32, #tpu.memory_space<vmem>> -> memref<128x128xf32, #tpu.memory_space<vmem>>
      tpu.enqueue_dma source(%dma_start3A_912 : memref<128x128xf32, #tpu.memory_space<vmem>>) target(%dma_start3A_908 : memref<128x128xf32, #tpu.memory_space<hbm>>) target_semaphore(%arg14 : memref<!tpu.dma_semaphore, #tpu.memory_space<semaphore_mem>>)
      %add3A_913 = arith.constant 1 : i32
      %add3A_914 = arith.addi %add3A_870, %add3A_913 : i32
      %add3A_915 = arith.addi %mul3A_2, %add3A_914 : i32
      %dma_start3A_916 = arith.constant 2 : i32
      %dma_start3A_917 = arith.constant 0 : i32
      %dma_start3A_918 = arith.constant 0 : i32
      %dma_start3A_919 = tpu.memref_slice %arg6[%dma_start3A_916, %dma_start3A_917, %dma_start3A_918] : memref<5x128x128xf32, #tpu.memory_space<vmem>> -> memref<1x128x128xf32, #tpu.memory_space<vmem>>
      %dma_start3A_920 = tpu.memref_squeeze %dma_start3A_919 : memref<1x128x128xf32, #tpu.memory_space<vmem>> -> memref<128x128xf32, #tpu.memory_space<vmem>>
      %dma_start3A_921 = arith.constant 0 : i32
      %dma_start3A_922 = arith.constant 0 : i32
      %dma_start3A_923 = tpu.memref_slice %arg4[%add3A_915, %dma_start3A_921, %dma_start3A_922] : memref<6400x128x128xf32, #tpu.memory_space<hbm>> -> memref<1x128x128xf32, #tpu.memory_space<hbm>>
      %dma_start3A_924 = tpu.memref_squeeze %dma_start3A_923 : memref<1x128x128xf32, #tpu.memory_space<hbm>> -> memref<128x128xf32, #tpu.memory_space<hbm>>
      %dma_start3A_925 = arith.constant 0 : i32
      %dma_start3A_926 = arith.constant 0 : i32
      %dma_start3A_927 = tpu.memref_slice %arg4[%add3A_915, %dma_start3A_925, %dma_start3A_926] : memref<6400x128x128xf32, #tpu.memory_space<hbm>> -> memref<1x128x128xf32, #tpu.memory_space<hbm>>
      %dma_start3A_928 = tpu.memref_squeeze %dma_start3A_927 : memref<1x128x128xf32, #tpu.memory_space<hbm>> -> memref<128x128xf32, #tpu.memory_space<hbm>>
      %dma_start3A_929 = arith.constant 0 : i32
      %dma_start3A_930 = arith.constant 0 : i32
      %dma_start3A_931 = tpu.memref_slice %arg6[%dma_start3A_916, %dma_start3A_929, %dma_start3A_930] : memref<5x128x128xf32, #tpu.memory_space<vmem>> -> memref<1x128x128xf32, #tpu.memory_space<vmem>>
      %dma_start3A_932 = tpu.memref_squeeze %dma_start3A_931 : memref<1x128x128xf32, #tpu.memory_space<vmem>> -> memref<128x128xf32, #tpu.memory_space<vmem>>
      tpu.enqueue_dma source(%dma_start3A_932 : memref<128x128xf32, #tpu.memory_space<vmem>>) target(%dma_start3A_928 : memref<128x128xf32, #tpu.memory_space<hbm>>) target_semaphore(%arg15 : memref<!tpu.dma_semaphore, #tpu.memory_space<semaphore_mem>>)
      %dma_wait3A_933 = arith.constant 4 : i32
      %dma_wait3A_934 = arith.constant 0 : i32
      %dma_wait3A_935 = arith.constant 0 : i32
      %dma_wait3A_936 = tpu.memref_slice %arg6[%dma_wait3A_933, %dma_wait3A_934, %dma_wait3A_935] : memref<5x128x128xf32, #tpu.memory_space<vmem>> -> memref<1x128x128xf32, #tpu.memory_space<vmem>>
      %dma_wait3A_937 = tpu.memref_squeeze %dma_wait3A_936 : memref<1x128x128xf32, #tpu.memory_space<vmem>> -> memref<128x128xf32, #tpu.memory_space<vmem>>
      %dma_wait3A_938 = arith.constant 0 : i32
      %dma_wait3A_939 = arith.constant 0 : i32
      %dma_wait3A_940 = tpu.memref_slice %arg4[%mul3A_2, %dma_wait3A_938, %dma_wait3A_939] : memref<6400x128x128xf32, #tpu.memory_space<hbm>> -> memref<1x128x128xf32, #tpu.memory_space<hbm>>
      %dma_wait3A_941 = tpu.memref_squeeze %dma_wait3A_940 : memref<1x128x128xf32, #tpu.memory_space<hbm>> -> memref<128x128xf32, #tpu.memory_space<hbm>>
      %dma_wait3A_942 = arith.constant 0 : i32
      %dma_wait3A_943 = arith.constant 0 : i32
      %dma_wait3A_944 = tpu.memref_slice %arg4[%mul3A_2, %dma_wait3A_942, %dma_wait3A_943] : memref<6400x128x128xf32, #tpu.memory_space<hbm>> -> memref<1x128x128xf32, #tpu.memory_space<hbm>>
      %dma_wait3A_945 = tpu.memref_squeeze %dma_wait3A_944 : memref<1x128x128xf32, #tpu.memory_space<hbm>> -> memref<128x128xf32, #tpu.memory_space<hbm>>
      %dma_wait3A_946 = arith.constant 0 : i32
      %dma_wait3A_947 = arith.constant 0 : i32
      %dma_wait3A_948 = tpu.memref_slice %arg6[%dma_wait3A_933, %dma_wait3A_946, %dma_wait3A_947] : memref<5x128x128xf32, #tpu.memory_space<vmem>> -> memref<1x128x128xf32, #tpu.memory_space<vmem>>
      %dma_wait3A_949 = tpu.memref_squeeze %dma_wait3A_948 : memref<1x128x128xf32, #tpu.memory_space<vmem>> -> memref<128x128xf32, #tpu.memory_space<vmem>>
      tpu.wait_dma2 semaphore(%arg17 : memref<!tpu.dma_semaphore, #tpu.memory_space<semaphore_mem>>) src(%dma_wait3A_949 : memref<128x128xf32, #tpu.memory_space<vmem>>) dst(%dma_wait3A_945 : memref<128x128xf32, #tpu.memory_space<hbm>>)
      %dma_wait3A_950 = arith.constant 0 : i32
      %dma_wait3A_951 = arith.constant 0 : i32
      %dma_wait3A_952 = arith.constant 0 : i32
      %dma_wait3A_953 = tpu.memref_slice %arg6[%dma_wait3A_950, %dma_wait3A_951, %dma_wait3A_952] : memref<5x128x128xf32, #tpu.memory_space<vmem>> -> memref<1x128x128xf32, #tpu.memory_space<vmem>>
      %dma_wait3A_954 = tpu.memref_squeeze %dma_wait3A_953 : memref<1x128x128xf32, #tpu.memory_space<vmem>> -> memref<128x128xf32, #tpu.memory_space<vmem>>
      %dma_wait3A_955 = arith.constant 0 : i32
      %dma_wait3A_956 = arith.constant 0 : i32
      %dma_wait3A_957 = tpu.memref_slice %arg4[%mul3A_2, %dma_wait3A_955, %dma_wait3A_956] : memref<6400x128x128xf32, #tpu.memory_space<hbm>> -> memref<1x128x128xf32, #tpu.memory_space<hbm>>
      %dma_wait3A_958 = tpu.memref_squeeze %dma_wait3A_957 : memref<1x128x128xf32, #tpu.memory_space<hbm>> -> memref<128x128xf32, #tpu.memory_space<hbm>>
      %dma_wait3A_959 = arith.constant 0 : i32
      %dma_wait3A_960 = arith.constant 0 : i32
      %dma_wait3A_961 = tpu.memref_slice %arg4[%mul3A_2, %dma_wait3A_959, %dma_wait3A_960] : memref<6400x128x128xf32, #tpu.memory_space<hbm>> -> memref<1x128x128xf32, #tpu.memory_space<hbm>>
      %dma_wait3A_962 = tpu.memref_squeeze %dma_wait3A_961 : memref<1x128x128xf32, #tpu.memory_space<hbm>> -> memref<128x128xf32, #tpu.memory_space<hbm>>
      %dma_wait3A_963 = arith.constant 0 : i32
      %dma_wait3A_964 = arith.constant 0 : i32
      %dma_wait3A_965 = tpu.memref_slice %arg6[%dma_wait3A_950, %dma_wait3A_963, %dma_wait3A_964] : memref<5x128x128xf32, #tpu.memory_space<vmem>> -> memref<1x128x128xf32, #tpu.memory_space<vmem>>
      %dma_wait3A_966 = tpu.memref_squeeze %dma_wait3A_965 : memref<1x128x128xf32, #tpu.memory_space<vmem>> -> memref<128x128xf32, #tpu.memory_space<vmem>>
      tpu.wait_dma2 semaphore(%arg13 : memref<!tpu.dma_semaphore, #tpu.memory_space<semaphore_mem>>) src(%dma_wait3A_966 : memref<128x128xf32, #tpu.memory_space<vmem>>) dst(%dma_wait3A_962 : memref<128x128xf32, #tpu.memory_space<hbm>>)
      %add3A_967 = arith.constant 3 : i32
      %add3A_968 = arith.addi %add3A_870, %add3A_967 : i32
      %dma_start3A_969 = arith.constant 4 : i32
      %dma_start3A_970 = arith.constant 0 : i32
      %dma_start3A_971 = arith.constant 0 : i32
      %dma_start3A_972 = tpu.memref_slice %arg6[%dma_start3A_969, %dma_start3A_970, %dma_start3A_971] : memref<5x128x128xf32, #tpu.memory_space<vmem>> -> memref<1x128x128xf32, #tpu.memory_space<vmem>>
      %dma_start3A_973 = tpu.memref_squeeze %dma_start3A_972 : memref<1x128x128xf32, #tpu.memory_space<vmem>> -> memref<128x128xf32, #tpu.memory_space<vmem>>
      %dma_start3A_974 = arith.constant 0 : i32
      %dma_start3A_975 = tpu.memref_slice %arg5[%add3A_968, %dma_start3A_974] : memref<200x128xi32, #tpu.memory_space<vmem>> -> memref<1x128xi32, #tpu.memory_space<vmem>>
      %dma_start3A_976 = tpu.memref_squeeze %dma_start3A_975 : memref<1x128xi32, #tpu.memory_space<vmem>> -> memref<128xi32, #tpu.memory_space<vmem>>
      %dma_start3A_977 = arith.constant 0 : i32
      %dma_start3A_978 = arith.constant 0 : i32
      %dma_start3A_979 = tpu.memref_slice %arg7[%dma_start3A_977, %dma_start3A_978] : memref<1000x128xf32, #tpu.memory_space<vmem_shared>> -> memref<1000x128xf32, #tpu.memory_space<vmem_shared>>
      tpu.enqueue_indirect_dma source(%dma_start3A_979 : memref<1000x128xf32, #tpu.memory_space<vmem_shared>>) target(%dma_start3A_973 : memref<128x128xf32, #tpu.memory_space<vmem>>) offsets(%dma_start3A_976 : memref<128xi32, #tpu.memory_space<vmem>>) semaphore(%arg12 : memref<!tpu.dma_semaphore, #tpu.memory_space<semaphore_mem>>)
      %add3A_980 = arith.constant 4 : i32
      %add3A_981 = arith.addi %add3A_870, %add3A_980 : i32
      %dma_start3A_982 = arith.constant 0 : i32
      %dma_start3A_983 = arith.constant 0 : i32
      %dma_start3A_984 = arith.constant 0 : i32
      %dma_start3A_985 = tpu.memref_slice %arg6[%dma_start3A_982, %dma_start3A_983, %dma_start3A_984] : memref<5x128x128xf32, #tpu.memory_space<vmem>> -> memref<1x128x128xf32, #tpu.memory_space<vmem>>
      %dma_start3A_986 = tpu.memref_squeeze %dma_start3A_985 : memref<1x128x128xf32, #tpu.memory_space<vmem>> -> memref<128x128xf32, #tpu.memory_space<vmem>>
      %dma_start3A_987 = arith.constant 0 : i32
      %dma_start3A_988 = tpu.memref_slice %arg5[%add3A_981, %dma_start3A_987] : memref<200x128xi32, #tpu.memory_space<vmem>> -> memref<1x128xi32, #tpu.memory_space<vmem>>
      %dma_start3A_989 = tpu.memref_squeeze %dma_start3A_988 : memref<1x128xi32, #tpu.memory_space<vmem>> -> memref<128xi32, #tpu.memory_space<vmem>>
      %dma_start3A_990 = arith.constant 0 : i32
      %dma_start3A_991 = arith.constant 0 : i32
      %dma_start3A_992 = tpu.memref_slice %arg7[%dma_start3A_990, %dma_start3A_991] : memref<1000x128xf32, #tpu.memory_space<vmem_shared>> -> memref<1000x128xf32, #tpu.memory_space<vmem_shared>>
      tpu.enqueue_indirect_dma source(%dma_start3A_992 : memref<1000x128xf32, #tpu.memory_space<vmem_shared>>) target(%dma_start3A_986 : memref<128x128xf32, #tpu.memory_space<vmem>>) offsets(%dma_start3A_989 : memref<128xi32, #tpu.memory_space<vmem>>) semaphore(%arg8 : memref<!tpu.dma_semaphore, #tpu.memory_space<semaphore_mem>>)
      %add3A_993 = arith.constant 6 : i32
      %add3A_994 = arith.addi %add3A_620, %add3A_993 : i32
      %dma_wait3A_995 = arith.constant 0 : i32
      %dma_wait3A_996 = arith.constant 3 : i32
      %dma_wait3A_997 = arith.constant 0 : i32
      %dma_wait3A_998 = arith.constant 0 : i32
      %dma_wait3A_999 = tpu.memref_slice %arg6[%dma_wait3A_996, %dma_wait3A_997, %dma_wait3A_998] : memref<5x128x128xf32, #tpu.memory_space<vmem>> -> memref<1x128x128xf32, #tpu.memory_space<vmem>>
      %dma_wait3A_1000 = tpu.memref_squeeze %dma_wait3A_999 : memref<1x128x128xf32, #tpu.memory_space<vmem>> -> memref<128x128xf32, #tpu.memory_space<vmem>>
      %dma_wait3A_1001 = arith.constant 0 : i32
      %dma_wait3A_1002 = tpu.memref_slice %arg5[%dma_wait3A_995, %dma_wait3A_1001] : memref<200x128xi32, #tpu.memory_space<vmem>> -> memref<1x128xi32, #tpu.memory_space<vmem>>
      %dma_wait3A_1003 = tpu.memref_squeeze %dma_wait3A_1002 : memref<1x128xi32, #tpu.memory_space<vmem>> -> memref<128xi32, #tpu.memory_space<vmem>>
      %dma_wait3A_1004 = arith.constant 0 : i32
      %dma_wait3A_1005 = arith.constant 0 : i32
      %dma_wait3A_1006 = tpu.memref_slice %arg7[%dma_wait3A_1004, %dma_wait3A_1005] : memref<1000x128xf32, #tpu.memory_space<vmem_shared>> -> memref<1000x128xf32, #tpu.memory_space<vmem_shared>>
      tpu.wait_indirect_dma semaphore(%arg11 : memref<!tpu.dma_semaphore, #tpu.memory_space<semaphore_mem>>) src(%dma_wait3A_1006 : memref<1000x128xf32, #tpu.memory_space<vmem_shared>>) dst(%dma_wait3A_1000 : memref<128x128xf32, #tpu.memory_space<vmem>>)
      %dma_wait3A_1007 = arith.constant 0 : i32
      %dma_wait3A_1008 = arith.constant 4 : i32
      %dma_wait3A_1009 = arith.constant 0 : i32
      %dma_wait3A_1010 = arith.constant 0 : i32
      %dma_wait3A_1011 = tpu.memref_slice %arg6[%dma_wait3A_1008, %dma_wait3A_1009, %dma_wait3A_1010] : memref<5x128x128xf32, #tpu.memory_space<vmem>> -> memref<1x128x128xf32, #tpu.memory_space<vmem>>
      %dma_wait3A_1012 = tpu.memref_squeeze %dma_wait3A_1011 : memref<1x128x128xf32, #tpu.memory_space<vmem>> -> memref<128x128xf32, #tpu.memory_space<vmem>>
      %dma_wait3A_1013 = arith.constant 0 : i32
      %dma_wait3A_1014 = tpu.memref_slice %arg5[%dma_wait3A_1007, %dma_wait3A_1013] : memref<200x128xi32, #tpu.memory_space<vmem>> -> memref<1x128xi32, #tpu.memory_space<vmem>>
      %dma_wait3A_1015 = tpu.memref_squeeze %dma_wait3A_1014 : memref<1x128xi32, #tpu.memory_space<vmem>> -> memref<128xi32, #tpu.memory_space<vmem>>
      %dma_wait3A_1016 = arith.constant 0 : i32
      %dma_wait3A_1017 = arith.constant 0 : i32
      %dma_wait3A_1018 = tpu.memref_slice %arg7[%dma_wait3A_1016, %dma_wait3A_1017] : memref<1000x128xf32, #tpu.memory_space<vmem_shared>> -> memref<1000x128xf32, #tpu.memory_space<vmem_shared>>
      tpu.wait_indirect_dma semaphore(%arg12 : memref<!tpu.dma_semaphore, #tpu.memory_space<semaphore_mem>>) src(%dma_wait3A_1018 : memref<1000x128xf32, #tpu.memory_space<vmem_shared>>) dst(%dma_wait3A_1012 : memref<128x128xf32, #tpu.memory_space<vmem>>)
      %add3A_1019 = arith.addi %mul3A_2, %add3A_994 : i32
      %dma_start3A_1020 = arith.constant 3 : i32
      %dma_start3A_1021 = arith.constant 0 : i32
      %dma_start3A_1022 = arith.constant 0 : i32
      %dma_start3A_1023 = tpu.memref_slice %arg6[%dma_start3A_1020, %dma_start3A_1021, %dma_start3A_1022] : memref<5x128x128xf32, #tpu.memory_space<vmem>> -> memref<1x128x128xf32, #tpu.memory_space<vmem>>
      %dma_start3A_1024 = tpu.memref_squeeze %dma_start3A_1023 : memref<1x128x128xf32, #tpu.memory_space<vmem>> -> memref<128x128xf32, #tpu.memory_space<vmem>>
      %dma_start3A_1025 = arith.constant 0 : i32
      %dma_start3A_1026 = arith.constant 0 : i32
      %dma_start3A_1027 = tpu.memref_slice %arg4[%add3A_1019, %dma_start3A_1025, %dma_start3A_1026] : memref<6400x128x128xf32, #tpu.memory_space<hbm>> -> memref<1x128x128xf32, #tpu.memory_space<hbm>>
      %dma_start3A_1028 = tpu.memref_squeeze %dma_start3A_1027 : memref<1x128x128xf32, #tpu.memory_space<hbm>> -> memref<128x128xf32, #tpu.memory_space<hbm>>
      %dma_start3A_1029 = arith.constant 0 : i32
      %dma_start3A_1030 = arith.constant 0 : i32
      %dma_start3A_1031 = tpu.memref_slice %arg4[%add3A_1019, %dma_start3A_1029, %dma_start3A_1030] : memref<6400x128x128xf32, #tpu.memory_space<hbm>> -> memref<1x128x128xf32, #tpu.memory_space<hbm>>
      %dma_start3A_1032 = tpu.memref_squeeze %dma_start3A_1031 : memref<1x128x128xf32, #tpu.memory_space<hbm>> -> memref<128x128xf32, #tpu.memory_space<hbm>>
      %dma_start3A_1033 = arith.constant 0 : i32
      %dma_start3A_1034 = arith.constant 0 : i32
      %dma_start3A_1035 = tpu.memref_slice %arg6[%dma_start3A_1020, %dma_start3A_1033, %dma_start3A_1034] : memref<5x128x128xf32, #tpu.memory_space<vmem>> -> memref<1x128x128xf32, #tpu.memory_space<vmem>>
      %dma_start3A_1036 = tpu.memref_squeeze %dma_start3A_1035 : memref<1x128x128xf32, #tpu.memory_space<vmem>> -> memref<128x128xf32, #tpu.memory_space<vmem>>
      tpu.enqueue_dma source(%dma_start3A_1036 : memref<128x128xf32, #tpu.memory_space<vmem>>) target(%dma_start3A_1032 : memref<128x128xf32, #tpu.memory_space<hbm>>) target_semaphore(%arg16 : memref<!tpu.dma_semaphore, #tpu.memory_space<semaphore_mem>>)
      %add3A_1037 = arith.constant 1 : i32
      %add3A_1038 = arith.addi %add3A_994, %add3A_1037 : i32
      %add3A_1039 = arith.addi %mul3A_2, %add3A_1038 : i32
      %dma_start3A_1040 = arith.constant 4 : i32
      %dma_start3A_1041 = arith.constant 0 : i32
      %dma_start3A_1042 = arith.constant 0 : i32
      %dma_start3A_1043 = tpu.memref_slice %arg6[%dma_start3A_1040, %dma_start3A_1041, %dma_start3A_1042] : memref<5x128x128xf32, #tpu.memory_space<vmem>> -> memref<1x128x128xf32, #tpu.memory_space<vmem>>
      %dma_start3A_1044 = tpu.memref_squeeze %dma_start3A_1043 : memref<1x128x128xf32, #tpu.memory_space<vmem>> -> memref<128x128xf32, #tpu.memory_space<vmem>>
      %dma_start3A_1045 = arith.constant 0 : i32
      %dma_start3A_1046 = arith.constant 0 : i32
      %dma_start3A_1047 = tpu.memref_slice %arg4[%add3A_1039, %dma_start3A_1045, %dma_start3A_1046] : memref<6400x128x128xf32, #tpu.memory_space<hbm>> -> memref<1x128x128xf32, #tpu.memory_space<hbm>>
      %dma_start3A_1048 = tpu.memref_squeeze %dma_start3A_1047 : memref<1x128x128xf32, #tpu.memory_space<hbm>> -> memref<128x128xf32, #tpu.memory_space<hbm>>
      %dma_start3A_1049 = arith.constant 0 : i32
      %dma_start3A_1050 = arith.constant 0 : i32
      %dma_start3A_1051 = tpu.memref_slice %arg4[%add3A_1039, %dma_start3A_1049, %dma_start3A_1050] : memref<6400x128x128xf32, #tpu.memory_space<hbm>> -> memref<1x128x128xf32, #tpu.memory_space<hbm>>
      %dma_start3A_1052 = tpu.memref_squeeze %dma_start3A_1051 : memref<1x128x128xf32, #tpu.memory_space<hbm>> -> memref<128x128xf32, #tpu.memory_space<hbm>>
      %dma_start3A_1053 = arith.constant 0 : i32
      %dma_start3A_1054 = arith.constant 0 : i32
      %dma_start3A_1055 = tpu.memref_slice %arg6[%dma_start3A_1040, %dma_start3A_1053, %dma_start3A_1054] : memref<5x128x128xf32, #tpu.memory_space<vmem>> -> memref<1x128x128xf32, #tpu.memory_space<vmem>>
      %dma_start3A_1056 = tpu.memref_squeeze %dma_start3A_1055 : memref<1x128x128xf32, #tpu.memory_space<vmem>> -> memref<128x128xf32, #tpu.memory_space<vmem>>
      tpu.enqueue_dma source(%dma_start3A_1056 : memref<128x128xf32, #tpu.memory_space<vmem>>) target(%dma_start3A_1052 : memref<128x128xf32, #tpu.memory_space<hbm>>) target_semaphore(%arg17 : memref<!tpu.dma_semaphore, #tpu.memory_space<semaphore_mem>>)
      %dma_wait3A_1057 = arith.constant 1 : i32
      %dma_wait3A_1058 = arith.constant 0 : i32
      %dma_wait3A_1059 = arith.constant 0 : i32
      %dma_wait3A_1060 = tpu.memref_slice %arg6[%dma_wait3A_1057, %dma_wait3A_1058, %dma_wait3A_1059] : memref<5x128x128xf32, #tpu.memory_space<vmem>> -> memref<1x128x128xf32, #tpu.memory_space<vmem>>
      %dma_wait3A_1061 = tpu.memref_squeeze %dma_wait3A_1060 : memref<1x128x128xf32, #tpu.memory_space<vmem>> -> memref<128x128xf32, #tpu.memory_space<vmem>>
      %dma_wait3A_1062 = arith.constant 0 : i32
      %dma_wait3A_1063 = arith.constant 0 : i32
      %dma_wait3A_1064 = tpu.memref_slice %arg4[%mul3A_2, %dma_wait3A_1062, %dma_wait3A_1063] : memref<6400x128x128xf32, #tpu.memory_space<hbm>> -> memref<1x128x128xf32, #tpu.memory_space<hbm>>
      %dma_wait3A_1065 = tpu.memref_squeeze %dma_wait3A_1064 : memref<1x128x128xf32, #tpu.memory_space<hbm>> -> memref<128x128xf32, #tpu.memory_space<hbm>>
      %dma_wait3A_1066 = arith.constant 0 : i32
      %dma_wait3A_1067 = arith.constant 0 : i32
      %dma_wait3A_1068 = tpu.memref_slice %arg4[%mul3A_2, %dma_wait3A_1066, %dma_wait3A_1067] : memref<6400x128x128xf32, #tpu.memory_space<hbm>> -> memref<1x128x128xf32, #tpu.memory_space<hbm>>
      %dma_wait3A_1069 = tpu.memref_squeeze %dma_wait3A_1068 : memref<1x128x128xf32, #tpu.memory_space<hbm>> -> memref<128x128xf32, #tpu.memory_space<hbm>>
      %dma_wait3A_1070 = arith.constant 0 : i32
      %dma_wait3A_1071 = arith.constant 0 : i32
      %dma_wait3A_1072 = tpu.memref_slice %arg6[%dma_wait3A_1057, %dma_wait3A_1070, %dma_wait3A_1071] : memref<5x128x128xf32, #tpu.memory_space<vmem>> -> memref<1x128x128xf32, #tpu.memory_space<vmem>>
      %dma_wait3A_1073 = tpu.memref_squeeze %dma_wait3A_1072 : memref<1x128x128xf32, #tpu.memory_space<vmem>> -> memref<128x128xf32, #tpu.memory_space<vmem>>
      tpu.wait_dma2 semaphore(%arg14 : memref<!tpu.dma_semaphore, #tpu.memory_space<semaphore_mem>>) src(%dma_wait3A_1073 : memref<128x128xf32, #tpu.memory_space<vmem>>) dst(%dma_wait3A_1069 : memref<128x128xf32, #tpu.memory_space<hbm>>)
      %dma_wait3A_1074 = arith.constant 2 : i32
      %dma_wait3A_1075 = arith.constant 0 : i32
      %dma_wait3A_1076 = arith.constant 0 : i32
      %dma_wait3A_1077 = tpu.memref_slice %arg6[%dma_wait3A_1074, %dma_wait3A_1075, %dma_wait3A_1076] : memref<5x128x128xf32, #tpu.memory_space<vmem>> -> memref<1x128x128xf32, #tpu.memory_space<vmem>>
      %dma_wait3A_1078 = tpu.memref_squeeze %dma_wait3A_1077 : memref<1x128x128xf32, #tpu.memory_space<vmem>> -> memref<128x128xf32, #tpu.memory_space<vmem>>
      %dma_wait3A_1079 = arith.constant 0 : i32
      %dma_wait3A_1080 = arith.constant 0 : i32
      %dma_wait3A_1081 = tpu.memref_slice %arg4[%mul3A_2, %dma_wait3A_1079, %dma_wait3A_1080] : memref<6400x128x128xf32, #tpu.memory_space<hbm>> -> memref<1x128x128xf32, #tpu.memory_space<hbm>>
      %dma_wait3A_1082 = tpu.memref_squeeze %dma_wait3A_1081 : memref<1x128x128xf32, #tpu.memory_space<hbm>> -> memref<128x128xf32, #tpu.memory_space<hbm>>
      %dma_wait3A_1083 = arith.constant 0 : i32
      %dma_wait3A_1084 = arith.constant 0 : i32
      %dma_wait3A_1085 = tpu.memref_slice %arg4[%mul3A_2, %dma_wait3A_1083, %dma_wait3A_1084] : memref<6400x128x128xf32, #tpu.memory_space<hbm>> -> memref<1x128x128xf32, #tpu.memory_space<hbm>>
      %dma_wait3A_1086 = tpu.memref_squeeze %dma_wait3A_1085 : memref<1x128x128xf32, #tpu.memory_space<hbm>> -> memref<128x128xf32, #tpu.memory_space<hbm>>
      %dma_wait3A_1087 = arith.constant 0 : i32
      %dma_wait3A_1088 = arith.constant 0 : i32
      %dma_wait3A_1089 = tpu.memref_slice %arg6[%dma_wait3A_1074, %dma_wait3A_1087, %dma_wait3A_1088] : memref<5x128x128xf32, #tpu.memory_space<vmem>> -> memref<1x128x128xf32, #tpu.memory_space<vmem>>
      %dma_wait3A_1090 = tpu.memref_squeeze %dma_wait3A_1089 : memref<1x128x128xf32, #tpu.memory_space<vmem>> -> memref<128x128xf32, #tpu.memory_space<vmem>>
      tpu.wait_dma2 semaphore(%arg15 : memref<!tpu.dma_semaphore, #tpu.memory_space<semaphore_mem>>) src(%dma_wait3A_1090 : memref<128x128xf32, #tpu.memory_space<vmem>>) dst(%dma_wait3A_1086 : memref<128x128xf32, #tpu.memory_space<hbm>>)
      %add3A_1091 = arith.constant 3 : i32
      %add3A_1092 = arith.addi %add3A_994, %add3A_1091 : i32
      %dma_start3A_1093 = arith.constant 1 : i32
      %dma_start3A_1094 = arith.constant 0 : i32
      %dma_start3A_1095 = arith.constant 0 : i32
      %dma_start3A_1096 = tpu.memref_slice %arg6[%dma_start3A_1093, %dma_start3A_1094, %dma_start3A_1095] : memref<5x128x128xf32, #tpu.memory_space<vmem>> -> memref<1x128x128xf32, #tpu.memory_space<vmem>>
      %dma_start3A_1097 = tpu.memref_squeeze %dma_start3A_1096 : memref<1x128x128xf32, #tpu.memory_space<vmem>> -> memref<128x128xf32, #tpu.memory_space<vmem>>
      %dma_start3A_1098 = arith.constant 0 : i32
      %dma_start3A_1099 = tpu.memref_slice %arg5[%add3A_1092, %dma_start3A_1098] : memref<200x128xi32, #tpu.memory_space<vmem>> -> memref<1x128xi32, #tpu.memory_space<vmem>>
      %dma_start3A_1100 = tpu.memref_squeeze %dma_start3A_1099 : memref<1x128xi32, #tpu.memory_space<vmem>> -> memref<128xi32, #tpu.memory_space<vmem>>
      %dma_start3A_1101 = arith.constant 0 : i32
      %dma_start3A_1102 = arith.constant 0 : i32
      %dma_start3A_1103 = tpu.memref_slice %arg7[%dma_start3A_1101, %dma_start3A_1102] : memref<1000x128xf32, #tpu.memory_space<vmem_shared>> -> memref<1000x128xf32, #tpu.memory_space<vmem_shared>>
      tpu.enqueue_indirect_dma source(%dma_start3A_1103 : memref<1000x128xf32, #tpu.memory_space<vmem_shared>>) target(%dma_start3A_1097 : memref<128x128xf32, #tpu.memory_space<vmem>>) offsets(%dma_start3A_1100 : memref<128xi32, #tpu.memory_space<vmem>>) semaphore(%arg9 : memref<!tpu.dma_semaphore, #tpu.memory_space<semaphore_mem>>)
      %add3A_1104 = arith.constant 4 : i32
      %add3A_1105 = arith.addi %add3A_994, %add3A_1104 : i32
      %dma_start3A_1106 = arith.constant 2 : i32
      %dma_start3A_1107 = arith.constant 0 : i32
      %dma_start3A_1108 = arith.constant 0 : i32
      %dma_start3A_1109 = tpu.memref_slice %arg6[%dma_start3A_1106, %dma_start3A_1107, %dma_start3A_1108] : memref<5x128x128xf32, #tpu.memory_space<vmem>> -> memref<1x128x128xf32, #tpu.memory_space<vmem>>
      %dma_start3A_1110 = tpu.memref_squeeze %dma_start3A_1109 : memref<1x128x128xf32, #tpu.memory_space<vmem>> -> memref<128x128xf32, #tpu.memory_space<vmem>>
      %dma_start3A_1111 = arith.constant 0 : i32
      %dma_start3A_1112 = tpu.memref_slice %arg5[%add3A_1105, %dma_start3A_1111] : memref<200x128xi32, #tpu.memory_space<vmem>> -> memref<1x128xi32, #tpu.memory_space<vmem>>
      %dma_start3A_1113 = tpu.memref_squeeze %dma_start3A_1112 : memref<1x128xi32, #tpu.memory_space<vmem>> -> memref<128xi32, #tpu.memory_space<vmem>>
      %dma_start3A_1114 = arith.constant 0 : i32
      %dma_start3A_1115 = arith.constant 0 : i32
      %dma_start3A_1116 = tpu.memref_slice %arg7[%dma_start3A_1114, %dma_start3A_1115] : memref<1000x128xf32, #tpu.memory_space<vmem_shared>> -> memref<1000x128xf32, #tpu.memory_space<vmem_shared>>
      tpu.enqueue_indirect_dma source(%dma_start3A_1116 : memref<1000x128xf32, #tpu.memory_space<vmem_shared>>) target(%dma_start3A_1110 : memref<128x128xf32, #tpu.memory_space<vmem>>) offsets(%dma_start3A_1113 : memref<128xi32, #tpu.memory_space<vmem>>) semaphore(%arg10 : memref<!tpu.dma_semaphore, #tpu.memory_space<semaphore_mem>>)
      %add3A_1117 = arith.constant 8 : i32
      %add3A_1118 = arith.addi %add3A_620, %add3A_1117 : i32
      %dma_wait3A_1119 = arith.constant 0 : i32
      %dma_wait3A_1120 = arith.constant 0 : i32
      %dma_wait3A_1121 = arith.constant 0 : i32
      %dma_wait3A_1122 = arith.constant 0 : i32
      %dma_wait3A_1123 = tpu.memref_slice %arg6[%dma_wait3A_1120, %dma_wait3A_1121, %dma_wait3A_1122] : memref<5x128x128xf32, #tpu.memory_space<vmem>> -> memref<1x128x128xf32, #tpu.memory_space<vmem>>
      %dma_wait3A_1124 = tpu.memref_squeeze %dma_wait3A_1123 : memref<1x128x128xf32, #tpu.memory_space<vmem>> -> memref<128x128xf32, #tpu.memory_space<vmem>>
      %dma_wait3A_1125 = arith.constant 0 : i32
      %dma_wait3A_1126 = tpu.memref_slice %arg5[%dma_wait3A_1119, %dma_wait3A_1125] : memref<200x128xi32, #tpu.memory_space<vmem>> -> memref<1x128xi32, #tpu.memory_space<vmem>>
      %dma_wait3A_1127 = tpu.memref_squeeze %dma_wait3A_1126 : memref<1x128xi32, #tpu.memory_space<vmem>> -> memref<128xi32, #tpu.memory_space<vmem>>
      %dma_wait3A_1128 = arith.constant 0 : i32
      %dma_wait3A_1129 = arith.constant 0 : i32
      %dma_wait3A_1130 = tpu.memref_slice %arg7[%dma_wait3A_1128, %dma_wait3A_1129] : memref<1000x128xf32, #tpu.memory_space<vmem_shared>> -> memref<1000x128xf32, #tpu.memory_space<vmem_shared>>
      tpu.wait_indirect_dma semaphore(%arg8 : memref<!tpu.dma_semaphore, #tpu.memory_space<semaphore_mem>>) src(%dma_wait3A_1130 : memref<1000x128xf32, #tpu.memory_space<vmem_shared>>) dst(%dma_wait3A_1124 : memref<128x128xf32, #tpu.memory_space<vmem>>)
      %dma_wait3A_1131 = arith.constant 0 : i32
      %dma_wait3A_1132 = arith.constant 1 : i32
      %dma_wait3A_1133 = arith.constant 0 : i32
      %dma_wait3A_1134 = arith.constant 0 : i32
      %dma_wait3A_1135 = tpu.memref_slice %arg6[%dma_wait3A_1132, %dma_wait3A_1133, %dma_wait3A_1134] : memref<5x128x128xf32, #tpu.memory_space<vmem>> -> memref<1x128x128xf32, #tpu.memory_space<vmem>>
      %dma_wait3A_1136 = tpu.memref_squeeze %dma_wait3A_1135 : memref<1x128x128xf32, #tpu.memory_space<vmem>> -> memref<128x128xf32, #tpu.memory_space<vmem>>
      %dma_wait3A_1137 = arith.constant 0 : i32
      %dma_wait3A_1138 = tpu.memref_slice %arg5[%dma_wait3A_1131, %dma_wait3A_1137] : memref<200x128xi32, #tpu.memory_space<vmem>> -> memref<1x128xi32, #tpu.memory_space<vmem>>
      %dma_wait3A_1139 = tpu.memref_squeeze %dma_wait3A_1138 : memref<1x128xi32, #tpu.memory_space<vmem>> -> memref<128xi32, #tpu.memory_space<vmem>>
      %dma_wait3A_1140 = arith.constant 0 : i32
      %dma_wait3A_1141 = arith.constant 0 : i32
      %dma_wait3A_1142 = tpu.memref_slice %arg7[%dma_wait3A_1140, %dma_wait3A_1141] : memref<1000x128xf32, #tpu.memory_space<vmem_shared>> -> memref<1000x128xf32, #tpu.memory_space<vmem_shared>>
      tpu.wait_indirect_dma semaphore(%arg9 : memref<!tpu.dma_semaphore, #tpu.memory_space<semaphore_mem>>) src(%dma_wait3A_1142 : memref<1000x128xf32, #tpu.memory_space<vmem_shared>>) dst(%dma_wait3A_1136 : memref<128x128xf32, #tpu.memory_space<vmem>>)
      %add3A_1143 = arith.addi %mul3A_2, %add3A_1118 : i32
      %dma_start3A_1144 = arith.constant 0 : i32
      %dma_start3A_1145 = arith.constant 0 : i32
      %dma_start3A_1146 = arith.constant 0 : i32
      %dma_start3A_1147 = tpu.memref_slice %arg6[%dma_start3A_1144, %dma_start3A_1145, %dma_start3A_1146] : memref<5x128x128xf32, #tpu.memory_space<vmem>> -> memref<1x128x128xf32, #tpu.memory_space<vmem>>
      %dma_start3A_1148 = tpu.memref_squeeze %dma_start3A_1147 : memref<1x128x128xf32, #tpu.memory_space<vmem>> -> memref<128x128xf32, #tpu.memory_space<vmem>>
      %dma_start3A_1149 = arith.constant 0 : i32
      %dma_start3A_1150 = arith.constant 0 : i32
      %dma_start3A_1151 = tpu.memref_slice %arg4[%add3A_1143, %dma_start3A_1149, %dma_start3A_1150] : memref<6400x128x128xf32, #tpu.memory_space<hbm>> -> memref<1x128x128xf32, #tpu.memory_space<hbm>>
      %dma_start3A_1152 = tpu.memref_squeeze %dma_start3A_1151 : memref<1x128x128xf32, #tpu.memory_space<hbm>> -> memref<128x128xf32, #tpu.memory_space<hbm>>
      %dma_start3A_1153 = arith.constant 0 : i32
      %dma_start3A_1154 = arith.constant 0 : i32
      %dma_start3A_1155 = tpu.memref_slice %arg4[%add3A_1143, %dma_start3A_1153, %dma_start3A_1154] : memref<6400x128x128xf32, #tpu.memory_space<hbm>> -> memref<1x128x128xf32, #tpu.memory_space<hbm>>
      %dma_start3A_1156 = tpu.memref_squeeze %dma_start3A_1155 : memref<1x128x128xf32, #tpu.memory_space<hbm>> -> memref<128x128xf32, #tpu.memory_space<hbm>>
      %dma_start3A_1157 = arith.constant 0 : i32
      %dma_start3A_1158 = arith.constant 0 : i32
      %dma_start3A_1159 = tpu.memref_slice %arg6[%dma_start3A_1144, %dma_start3A_1157, %dma_start3A_1158] : memref<5x128x128xf32, #tpu.memory_space<vmem>> -> memref<1x128x128xf32, #tpu.memory_space<vmem>>
      %dma_start3A_1160 = tpu.memref_squeeze %dma_start3A_1159 : memref<1x128x128xf32, #tpu.memory_space<vmem>> -> memref<128x128xf32, #tpu.memory_space<vmem>>
      tpu.enqueue_dma source(%dma_start3A_1160 : memref<128x128xf32, #tpu.memory_space<vmem>>) target(%dma_start3A_1156 : memref<128x128xf32, #tpu.memory_space<hbm>>) target_semaphore(%arg13 : memref<!tpu.dma_semaphore, #tpu.memory_space<semaphore_mem>>)
      %add3A_1161 = arith.constant 1 : i32
      %add3A_1162 = arith.addi %add3A_1118, %add3A_1161 : i32
      %add3A_1163 = arith.addi %mul3A_2, %add3A_1162 : i32
      %dma_start3A_1164 = arith.constant 1 : i32
      %dma_start3A_1165 = arith.constant 0 : i32
      %dma_start3A_1166 = arith.constant 0 : i32
      %dma_start3A_1167 = tpu.memref_slice %arg6[%dma_start3A_1164, %dma_start3A_1165, %dma_start3A_1166] : memref<5x128x128xf32, #tpu.memory_space<vmem>> -> memref<1x128x128xf32, #tpu.memory_space<vmem>>
      %dma_start3A_1168 = tpu.memref_squeeze %dma_start3A_1167 : memref<1x128x128xf32, #tpu.memory_space<vmem>> -> memref<128x128xf32, #tpu.memory_space<vmem>>
      %dma_start3A_1169 = arith.constant 0 : i32
      %dma_start3A_1170 = arith.constant 0 : i32
      %dma_start3A_1171 = tpu.memref_slice %arg4[%add3A_1163, %dma_start3A_1169, %dma_start3A_1170] : memref<6400x128x128xf32, #tpu.memory_space<hbm>> -> memref<1x128x128xf32, #tpu.memory_space<hbm>>
      %dma_start3A_1172 = tpu.memref_squeeze %dma_start3A_1171 : memref<1x128x128xf32, #tpu.memory_space<hbm>> -> memref<128x128xf32, #tpu.memory_space<hbm>>
      %dma_start3A_1173 = arith.constant 0 : i32
      %dma_start3A_1174 = arith.constant 0 : i32
      %dma_start3A_1175 = tpu.memref_slice %arg4[%add3A_1163, %dma_start3A_1173, %dma_start3A_1174] : memref<6400x128x128xf32, #tpu.memory_space<hbm>> -> memref<1x128x128xf32, #tpu.memory_space<hbm>>
      %dma_start3A_1176 = tpu.memref_squeeze %dma_start3A_1175 : memref<1x128x128xf32, #tpu.memory_space<hbm>> -> memref<128x128xf32, #tpu.memory_space<hbm>>
      %dma_start3A_1177 = arith.constant 0 : i32
      %dma_start3A_1178 = arith.constant 0 : i32
      %dma_start3A_1179 = tpu.memref_slice %arg6[%dma_start3A_1164, %dma_start3A_1177, %dma_start3A_1178] : memref<5x128x128xf32, #tpu.memory_space<vmem>> -> memref<1x128x128xf32, #tpu.memory_space<vmem>>
      %dma_start3A_1180 = tpu.memref_squeeze %dma_start3A_1179 : memref<1x128x128xf32, #tpu.memory_space<vmem>> -> memref<128x128xf32, #tpu.memory_space<vmem>>
      tpu.enqueue_dma source(%dma_start3A_1180 : memref<128x128xf32, #tpu.memory_space<vmem>>) target(%dma_start3A_1176 : memref<128x128xf32, #tpu.memory_space<hbm>>) target_semaphore(%arg14 : memref<!tpu.dma_semaphore, #tpu.memory_space<semaphore_mem>>)
      %dma_wait3A_1181 = arith.constant 3 : i32
      %dma_wait3A_1182 = arith.constant 0 : i32
      %dma_wait3A_1183 = arith.constant 0 : i32
      %dma_wait3A_1184 = tpu.memref_slice %arg6[%dma_wait3A_1181, %dma_wait3A_1182, %dma_wait3A_1183] : memref<5x128x128xf32, #tpu.memory_space<vmem>> -> memref<1x128x128xf32, #tpu.memory_space<vmem>>
      %dma_wait3A_1185 = tpu.memref_squeeze %dma_wait3A_1184 : memref<1x128x128xf32, #tpu.memory_space<vmem>> -> memref<128x128xf32, #tpu.memory_space<vmem>>
      %dma_wait3A_1186 = arith.constant 0 : i32
      %dma_wait3A_1187 = arith.constant 0 : i32
      %dma_wait3A_1188 = tpu.memref_slice %arg4[%mul3A_2, %dma_wait3A_1186, %dma_wait3A_1187] : memref<6400x128x128xf32, #tpu.memory_space<hbm>> -> memref<1x128x128xf32, #tpu.memory_space<hbm>>
      %dma_wait3A_1189 = tpu.memref_squeeze %dma_wait3A_1188 : memref<1x128x128xf32, #tpu.memory_space<hbm>> -> memref<128x128xf32, #tpu.memory_space<hbm>>
      %dma_wait3A_1190 = arith.constant 0 : i32
      %dma_wait3A_1191 = arith.constant 0 : i32
      %dma_wait3A_1192 = tpu.memref_slice %arg4[%mul3A_2, %dma_wait3A_1190, %dma_wait3A_1191] : memref<6400x128x128xf32, #tpu.memory_space<hbm>> -> memref<1x128x128xf32, #tpu.memory_space<hbm>>
      %dma_wait3A_1193 = tpu.memref_squeeze %dma_wait3A_1192 : memref<1x128x128xf32, #tpu.memory_space<hbm>> -> memref<128x128xf32, #tpu.memory_space<hbm>>
      %dma_wait3A_1194 = arith.constant 0 : i32
      %dma_wait3A_1195 = arith.constant 0 : i32
      %dma_wait3A_1196 = tpu.memref_slice %arg6[%dma_wait3A_1181, %dma_wait3A_1194, %dma_wait3A_1195] : memref<5x128x128xf32, #tpu.memory_space<vmem>> -> memref<1x128x128xf32, #tpu.memory_space<vmem>>
      %dma_wait3A_1197 = tpu.memref_squeeze %dma_wait3A_1196 : memref<1x128x128xf32, #tpu.memory_space<vmem>> -> memref<128x128xf32, #tpu.memory_space<vmem>>
      tpu.wait_dma2 semaphore(%arg16 : memref<!tpu.dma_semaphore, #tpu.memory_space<semaphore_mem>>) src(%dma_wait3A_1197 : memref<128x128xf32, #tpu.memory_space<vmem>>) dst(%dma_wait3A_1193 : memref<128x128xf32, #tpu.memory_space<hbm>>)
      %dma_wait3A_1198 = arith.constant 4 : i32
      %dma_wait3A_1199 = arith.constant 0 : i32
      %dma_wait3A_1200 = arith.constant 0 : i32
      %dma_wait3A_1201 = tpu.memref_slice %arg6[%dma_wait3A_1198, %dma_wait3A_1199, %dma_wait3A_1200] : memref<5x128x128xf32, #tpu.memory_space<vmem>> -> memref<1x128x128xf32, #tpu.memory_space<vmem>>
      %dma_wait3A_1202 = tpu.memref_squeeze %dma_wait3A_1201 : memref<1x128x128xf32, #tpu.memory_space<vmem>> -> memref<128x128xf32, #tpu.memory_space<vmem>>
      %dma_wait3A_1203 = arith.constant 0 : i32
      %dma_wait3A_1204 = arith.constant 0 : i32
      %dma_wait3A_1205 = tpu.memref_slice %arg4[%mul3A_2, %dma_wait3A_1203, %dma_wait3A_1204] : memref<6400x128x128xf32, #tpu.memory_space<hbm>> -> memref<1x128x128xf32, #tpu.memory_space<hbm>>
      %dma_wait3A_1206 = tpu.memref_squeeze %dma_wait3A_1205 : memref<1x128x128xf32, #tpu.memory_space<hbm>> -> memref<128x128xf32, #tpu.memory_space<hbm>>
      %dma_wait3A_1207 = arith.constant 0 : i32
      %dma_wait3A_1208 = arith.constant 0 : i32
      %dma_wait3A_1209 = tpu.memref_slice %arg4[%mul3A_2, %dma_wait3A_1207, %dma_wait3A_1208] : memref<6400x128x128xf32, #tpu.memory_space<hbm>> -> memref<1x128x128xf32, #tpu.memory_space<hbm>>
      %dma_wait3A_1210 = tpu.memref_squeeze %dma_wait3A_1209 : memref<1x128x128xf32, #tpu.memory_space<hbm>> -> memref<128x128xf32, #tpu.memory_space<hbm>>
      %dma_wait3A_1211 = arith.constant 0 : i32
      %dma_wait3A_1212 = arith.constant 0 : i32
      %dma_wait3A_1213 = tpu.memref_slice %arg6[%dma_wait3A_1198, %dma_wait3A_1211, %dma_wait3A_1212] : memref<5x128x128xf32, #tpu.memory_space<vmem>> -> memref<1x128x128xf32, #tpu.memory_space<vmem>>
      %dma_wait3A_1214 = tpu.memref_squeeze %dma_wait3A_1213 : memref<1x128x128xf32, #tpu.memory_space<vmem>> -> memref<128x128xf32, #tpu.memory_space<vmem>>
      tpu.wait_dma2 semaphore(%arg17 : memref<!tpu.dma_semaphore, #tpu.memory_space<semaphore_mem>>) src(%dma_wait3A_1214 : memref<128x128xf32, #tpu.memory_space<vmem>>) dst(%dma_wait3A_1210 : memref<128x128xf32, #tpu.memory_space<hbm>>)
      %add3A_1215 = arith.constant 3 : i32
      %add3A_1216 = arith.addi %add3A_1118, %add3A_1215 : i32
      %dma_start3A_1217 = arith.constant 3 : i32
      %dma_start3A_1218 = arith.constant 0 : i32
      %dma_start3A_1219 = arith.constant 0 : i32
      %dma_start3A_1220 = tpu.memref_slice %arg6[%dma_start3A_1217, %dma_start3A_1218, %dma_start3A_1219] : memref<5x128x128xf32, #tpu.memory_space<vmem>> -> memref<1x128x128xf32, #tpu.memory_space<vmem>>
      %dma_start3A_1221 = tpu.memref_squeeze %dma_start3A_1220 : memref<1x128x128xf32, #tpu.memory_space<vmem>> -> memref<128x128xf32, #tpu.memory_space<vmem>>
      %dma_start3A_1222 = arith.constant 0 : i32
      %dma_start3A_1223 = tpu.memref_slice %arg5[%add3A_1216, %dma_start3A_1222] : memref<200x128xi32, #tpu.memory_space<vmem>> -> memref<1x128xi32, #tpu.memory_space<vmem>>
      %dma_start3A_1224 = tpu.memref_squeeze %dma_start3A_1223 : memref<1x128xi32, #tpu.memory_space<vmem>> -> memref<128xi32, #tpu.memory_space<vmem>>
      %dma_start3A_1225 = arith.constant 0 : i32
      %dma_start3A_1226 = arith.constant 0 : i32
      %dma_start3A_1227 = tpu.memref_slice %arg7[%dma_start3A_1225, %dma_start3A_1226] : memref<1000x128xf32, #tpu.memory_space<vmem_shared>> -> memref<1000x128xf32, #tpu.memory_space<vmem_shared>>
      tpu.enqueue_indirect_dma source(%dma_start3A_1227 : memref<1000x128xf32, #tpu.memory_space<vmem_shared>>) target(%dma_start3A_1221 : memref<128x128xf32, #tpu.memory_space<vmem>>) offsets(%dma_start3A_1224 : memref<128xi32, #tpu.memory_space<vmem>>) semaphore(%arg11 : memref<!tpu.dma_semaphore, #tpu.memory_space<semaphore_mem>>)
      %add3A_1228 = arith.constant 4 : i32
      %add3A_1229 = arith.addi %add3A_1118, %add3A_1228 : i32
      %dma_start3A_1230 = arith.constant 4 : i32
      %dma_start3A_1231 = arith.constant 0 : i32
      %dma_start3A_1232 = arith.constant 0 : i32
      %dma_start3A_1233 = tpu.memref_slice %arg6[%dma_start3A_1230, %dma_start3A_1231, %dma_start3A_1232] : memref<5x128x128xf32, #tpu.memory_space<vmem>> -> memref<1x128x128xf32, #tpu.memory_space<vmem>>
      %dma_start3A_1234 = tpu.memref_squeeze %dma_start3A_1233 : memref<1x128x128xf32, #tpu.memory_space<vmem>> -> memref<128x128xf32, #tpu.memory_space<vmem>>
      %dma_start3A_1235 = arith.constant 0 : i32
      %dma_start3A_1236 = tpu.memref_slice %arg5[%add3A_1229, %dma_start3A_1235] : memref<200x128xi32, #tpu.memory_space<vmem>> -> memref<1x128xi32, #tpu.memory_space<vmem>>
      %dma_start3A_1237 = tpu.memref_squeeze %dma_start3A_1236 : memref<1x128xi32, #tpu.memory_space<vmem>> -> memref<128xi32, #tpu.memory_space<vmem>>
      %dma_start3A_1238 = arith.constant 0 : i32
      %dma_start3A_1239 = arith.constant 0 : i32
      %dma_start3A_1240 = tpu.memref_slice %arg7[%dma_start3A_1238, %dma_start3A_1239] : memref<1000x128xf32, #tpu.memory_space<vmem_shared>> -> memref<1000x128xf32, #tpu.memory_space<vmem_shared>>
      tpu.enqueue_indirect_dma source(%dma_start3A_1240 : memref<1000x128xf32, #tpu.memory_space<vmem_shared>>) target(%dma_start3A_1234 : memref<128x128xf32, #tpu.memory_space<vmem>>) offsets(%dma_start3A_1237 : memref<128xi32, #tpu.memory_space<vmem>>) semaphore(%arg12 : memref<!tpu.dma_semaphore, #tpu.memory_space<semaphore_mem>>)
    }
    %scan3A_137 = arith.constant 19 : i32
    %dma_wait3A_138 = arith.constant 0 : i32
    %dma_wait3A_139 = arith.constant 2 : i32
    %dma_wait3A_140 = arith.constant 0 : i32
    %dma_wait3A_141 = arith.constant 0 : i32
    %dma_wait3A_142 = tpu.memref_slice %arg6[%dma_wait3A_139, %dma_wait3A_140, %dma_wait3A_141] : memref<5x128x128xf32, #tpu.memory_space<vmem>> -> memref<1x128x128xf32, #tpu.memory_space<vmem>>
    %dma_wait3A_143 = tpu.memref_squeeze %dma_wait3A_142 : memref<1x128x128xf32, #tpu.memory_space<vmem>> -> memref<128x128xf32, #tpu.memory_space<vmem>>
    %dma_wait3A_144 = arith.constant 0 : i32
    %dma_wait3A_145 = tpu.memref_slice %arg5[%dma_wait3A_138, %dma_wait3A_144] : memref<200x128xi32, #tpu.memory_space<vmem>> -> memref<1x128xi32, #tpu.memory_space<vmem>>
    %dma_wait3A_146 = tpu.memref_squeeze %dma_wait3A_145 : memref<1x128xi32, #tpu.memory_space<vmem>> -> memref<128xi32, #tpu.memory_space<vmem>>
    %dma_wait3A_147 = arith.constant 0 : i32
    %dma_wait3A_148 = arith.constant 0 : i32
    %dma_wait3A_149 = tpu.memref_slice %arg7[%dma_wait3A_147, %dma_wait3A_148] : memref<1000x128xf32, #tpu.memory_space<vmem_shared>> -> memref<1000x128xf32, #tpu.memory_space<vmem_shared>>
    tpu.wait_indirect_dma semaphore(%arg10 : memref<!tpu.dma_semaphore, #tpu.memory_space<semaphore_mem>>) src(%dma_wait3A_149 : memref<1000x128xf32, #tpu.memory_space<vmem_shared>>) dst(%dma_wait3A_143 : memref<128x128xf32, #tpu.memory_space<vmem>>)
    %dma_wait3A_150 = arith.constant 0 : i32
    %dma_wait3A_151 = arith.constant 3 : i32
    %dma_wait3A_152 = arith.constant 0 : i32
    %dma_wait3A_153 = arith.constant 0 : i32
    %dma_wait3A_154 = tpu.memref_slice %arg6[%dma_wait3A_151, %dma_wait3A_152, %dma_wait3A_153] : memref<5x128x128xf32, #tpu.memory_space<vmem>> -> memref<1x128x128xf32, #tpu.memory_space<vmem>>
    %dma_wait3A_155 = tpu.memref_squeeze %dma_wait3A_154 : memref<1x128x128xf32, #tpu.memory_space<vmem>> -> memref<128x128xf32, #tpu.memory_space<vmem>>
    %dma_wait3A_156 = arith.constant 0 : i32
    %dma_wait3A_157 = tpu.memref_slice %arg5[%dma_wait3A_150, %dma_wait3A_156] : memref<200x128xi32, #tpu.memory_space<vmem>> -> memref<1x128xi32, #tpu.memory_space<vmem>>
    %dma_wait3A_158 = tpu.memref_squeeze %dma_wait3A_157 : memref<1x128xi32, #tpu.memory_space<vmem>> -> memref<128xi32, #tpu.memory_space<vmem>>
    %dma_wait3A_159 = arith.constant 0 : i32
    %dma_wait3A_160 = arith.constant 0 : i32
    %dma_wait3A_161 = tpu.memref_slice %arg7[%dma_wait3A_159, %dma_wait3A_160] : memref<1000x128xf32, #tpu.memory_space<vmem_shared>> -> memref<1000x128xf32, #tpu.memory_space<vmem_shared>>
    tpu.wait_indirect_dma semaphore(%arg11 : memref<!tpu.dma_semaphore, #tpu.memory_space<semaphore_mem>>) src(%dma_wait3A_161 : memref<1000x128xf32, #tpu.memory_space<vmem_shared>>) dst(%dma_wait3A_155 : memref<128x128xf32, #tpu.memory_space<vmem>>)
    %add3A_162 = arith.constant 192 : i32
    %add3A_163 = arith.addi %mul3A_2, %add3A_162 : i32
    %dma_start3A_164 = arith.constant 2 : i32
    %dma_start3A_165 = arith.constant 0 : i32
    %dma_start3A_166 = arith.constant 0 : i32
    %dma_start3A_167 = tpu.memref_slice %arg6[%dma_start3A_164, %dma_start3A_165, %dma_start3A_166] : memref<5x128x128xf32, #tpu.memory_space<vmem>> -> memref<1x128x128xf32, #tpu.memory_space<vmem>>
    %dma_start3A_168 = tpu.memref_squeeze %dma_start3A_167 : memref<1x128x128xf32, #tpu.memory_space<vmem>> -> memref<128x128xf32, #tpu.memory_space<vmem>>
    %dma_start3A_169 = arith.constant 0 : i32
    %dma_start3A_170 = arith.constant 0 : i32
    %dma_start3A_171 = tpu.memref_slice %arg4[%add3A_163, %dma_start3A_169, %dma_start3A_170] : memref<6400x128x128xf32, #tpu.memory_space<hbm>> -> memref<1x128x128xf32, #tpu.memory_space<hbm>>
    %dma_start3A_172 = tpu.memref_squeeze %dma_start3A_171 : memref<1x128x128xf32, #tpu.memory_space<hbm>> -> memref<128x128xf32, #tpu.memory_space<hbm>>
    %dma_start3A_173 = arith.constant 0 : i32
    %dma_start3A_174 = arith.constant 0 : i32
    %dma_start3A_175 = tpu.memref_slice %arg4[%add3A_163, %dma_start3A_173, %dma_start3A_174] : memref<6400x128x128xf32, #tpu.memory_space<hbm>> -> memref<1x128x128xf32, #tpu.memory_space<hbm>>
    %dma_start3A_176 = tpu.memref_squeeze %dma_start3A_175 : memref<1x128x128xf32, #tpu.memory_space<hbm>> -> memref<128x128xf32, #tpu.memory_space<hbm>>
    %dma_start3A_177 = arith.constant 0 : i32
    %dma_start3A_178 = arith.constant 0 : i32
    %dma_start3A_179 = tpu.memref_slice %arg6[%dma_start3A_164, %dma_start3A_177, %dma_start3A_178] : memref<5x128x128xf32, #tpu.memory_space<vmem>> -> memref<1x128x128xf32, #tpu.memory_space<vmem>>
    %dma_start3A_180 = tpu.memref_squeeze %dma_start3A_179 : memref<1x128x128xf32, #tpu.memory_space<vmem>> -> memref<128x128xf32, #tpu.memory_space<vmem>>
    tpu.enqueue_dma source(%dma_start3A_180 : memref<128x128xf32, #tpu.memory_space<vmem>>) target(%dma_start3A_176 : memref<128x128xf32, #tpu.memory_space<hbm>>) target_semaphore(%arg15 : memref<!tpu.dma_semaphore, #tpu.memory_space<semaphore_mem>>)
    %add3A_181 = arith.constant 193 : i32
    %add3A_182 = arith.addi %mul3A_2, %add3A_181 : i32
    %dma_start3A_183 = arith.constant 3 : i32
    %dma_start3A_184 = arith.constant 0 : i32
    %dma_start3A_185 = arith.constant 0 : i32
    %dma_start3A_186 = tpu.memref_slice %arg6[%dma_start3A_183, %dma_start3A_184, %dma_start3A_185] : memref<5x128x128xf32, #tpu.memory_space<vmem>> -> memref<1x128x128xf32, #tpu.memory_space<vmem>>
    %dma_start3A_187 = tpu.memref_squeeze %dma_start3A_186 : memref<1x128x128xf32, #tpu.memory_space<vmem>> -> memref<128x128xf32, #tpu.memory_space<vmem>>
    %dma_start3A_188 = arith.constant 0 : i32
    %dma_start3A_189 = arith.constant 0 : i32
    %dma_start3A_190 = tpu.memref_slice %arg4[%add3A_182, %dma_start3A_188, %dma_start3A_189] : memref<6400x128x128xf32, #tpu.memory_space<hbm>> -> memref<1x128x128xf32, #tpu.memory_space<hbm>>
    %dma_start3A_191 = tpu.memref_squeeze %dma_start3A_190 : memref<1x128x128xf32, #tpu.memory_space<hbm>> -> memref<128x128xf32, #tpu.memory_space<hbm>>
    %dma_start3A_192 = arith.constant 0 : i32
    %dma_start3A_193 = arith.constant 0 : i32
    %dma_start3A_194 = tpu.memref_slice %arg4[%add3A_182, %dma_start3A_192, %dma_start3A_193] : memref<6400x128x128xf32, #tpu.memory_space<hbm>> -> memref<1x128x128xf32, #tpu.memory_space<hbm>>
    %dma_start3A_195 = tpu.memref_squeeze %dma_start3A_194 : memref<1x128x128xf32, #tpu.memory_space<hbm>> -> memref<128x128xf32, #tpu.memory_space<hbm>>
    %dma_start3A_196 = arith.constant 0 : i32
    %dma_start3A_197 = arith.constant 0 : i32
    %dma_start3A_198 = tpu.memref_slice %arg6[%dma_start3A_183, %dma_start3A_196, %dma_start3A_197] : memref<5x128x128xf32, #tpu.memory_space<vmem>> -> memref<1x128x128xf32, #tpu.memory_space<vmem>>
    %dma_start3A_199 = tpu.memref_squeeze %dma_start3A_198 : memref<1x128x128xf32, #tpu.memory_space<vmem>> -> memref<128x128xf32, #tpu.memory_space<vmem>>
    tpu.enqueue_dma source(%dma_start3A_199 : memref<128x128xf32, #tpu.memory_space<vmem>>) target(%dma_start3A_195 : memref<128x128xf32, #tpu.memory_space<hbm>>) target_semaphore(%arg16 : memref<!tpu.dma_semaphore, #tpu.memory_space<semaphore_mem>>)
    %dma_wait3A_200 = arith.constant 0 : i32
    %dma_wait3A_201 = arith.constant 0 : i32
    %dma_wait3A_202 = arith.constant 0 : i32
    %dma_wait3A_203 = tpu.memref_slice %arg6[%dma_wait3A_200, %dma_wait3A_201, %dma_wait3A_202] : memref<5x128x128xf32, #tpu.memory_space<vmem>> -> memref<1x128x128xf32, #tpu.memory_space<vmem>>
    %dma_wait3A_204 = tpu.memref_squeeze %dma_wait3A_203 : memref<1x128x128xf32, #tpu.memory_space<vmem>> -> memref<128x128xf32, #tpu.memory_space<vmem>>
    %dma_wait3A_205 = arith.constant 0 : i32
    %dma_wait3A_206 = arith.constant 0 : i32
    %dma_wait3A_207 = tpu.memref_slice %arg4[%mul3A_2, %dma_wait3A_205, %dma_wait3A_206] : memref<6400x128x128xf32, #tpu.memory_space<hbm>> -> memref<1x128x128xf32, #tpu.memory_space<hbm>>
    %dma_wait3A_208 = tpu.memref_squeeze %dma_wait3A_207 : memref<1x128x128xf32, #tpu.memory_space<hbm>> -> memref<128x128xf32, #tpu.memory_space<hbm>>
    %dma_wait3A_209 = arith.constant 0 : i32
    %dma_wait3A_210 = arith.constant 0 : i32
    %dma_wait3A_211 = tpu.memref_slice %arg4[%mul3A_2, %dma_wait3A_209, %dma_wait3A_210] : memref<6400x128x128xf32, #tpu.memory_space<hbm>> -> memref<1x128x128xf32, #tpu.memory_space<hbm>>
    %dma_wait3A_212 = tpu.memref_squeeze %dma_wait3A_211 : memref<1x128x128xf32, #tpu.memory_space<hbm>> -> memref<128x128xf32, #tpu.memory_space<hbm>>
    %dma_wait3A_213 = arith.constant 0 : i32
    %dma_wait3A_214 = arith.constant 0 : i32
    %dma_wait3A_215 = tpu.memref_slice %arg6[%dma_wait3A_200, %dma_wait3A_213, %dma_wait3A_214] : memref<5x128x128xf32, #tpu.memory_space<vmem>> -> memref<1x128x128xf32, #tpu.memory_space<vmem>>
    %dma_wait3A_216 = tpu.memref_squeeze %dma_wait3A_215 : memref<1x128x128xf32, #tpu.memory_space<vmem>> -> memref<128x128xf32, #tpu.memory_space<vmem>>
    tpu.wait_dma2 semaphore(%arg13 : memref<!tpu.dma_semaphore, #tpu.memory_space<semaphore_mem>>) src(%dma_wait3A_216 : memref<128x128xf32, #tpu.memory_space<vmem>>) dst(%dma_wait3A_212 : memref<128x128xf32, #tpu.memory_space<hbm>>)
    %dma_wait3A_217 = arith.constant 1 : i32
    %dma_wait3A_218 = arith.constant 0 : i32
    %dma_wait3A_219 = arith.constant 0 : i32
    %dma_wait3A_220 = tpu.memref_slice %arg6[%dma_wait3A_217, %dma_wait3A_218, %dma_wait3A_219] : memref<5x128x128xf32, #tpu.memory_space<vmem>> -> memref<1x128x128xf32, #tpu.memory_space<vmem>>
    %dma_wait3A_221 = tpu.memref_squeeze %dma_wait3A_220 : memref<1x128x128xf32, #tpu.memory_space<vmem>> -> memref<128x128xf32, #tpu.memory_space<vmem>>
    %dma_wait3A_222 = arith.constant 0 : i32
    %dma_wait3A_223 = arith.constant 0 : i32
    %dma_wait3A_224 = tpu.memref_slice %arg4[%mul3A_2, %dma_wait3A_222, %dma_wait3A_223] : memref<6400x128x128xf32, #tpu.memory_space<hbm>> -> memref<1x128x128xf32, #tpu.memory_space<hbm>>
    %dma_wait3A_225 = tpu.memref_squeeze %dma_wait3A_224 : memref<1x128x128xf32, #tpu.memory_space<hbm>> -> memref<128x128xf32, #tpu.memory_space<hbm>>
    %dma_wait3A_226 = arith.constant 0 : i32
    %dma_wait3A_227 = arith.constant 0 : i32
    %dma_wait3A_228 = tpu.memref_slice %arg4[%mul3A_2, %dma_wait3A_226, %dma_wait3A_227] : memref<6400x128x128xf32, #tpu.memory_space<hbm>> -> memref<1x128x128xf32, #tpu.memory_space<hbm>>
    %dma_wait3A_229 = tpu.memref_squeeze %dma_wait3A_228 : memref<1x128x128xf32, #tpu.memory_space<hbm>> -> memref<128x128xf32, #tpu.memory_space<hbm>>
    %dma_wait3A_230 = arith.constant 0 : i32
    %dma_wait3A_231 = arith.constant 0 : i32
    %dma_wait3A_232 = tpu.memref_slice %arg6[%dma_wait3A_217, %dma_wait3A_230, %dma_wait3A_231] : memref<5x128x128xf32, #tpu.memory_space<vmem>> -> memref<1x128x128xf32, #tpu.memory_space<vmem>>
    %dma_wait3A_233 = tpu.memref_squeeze %dma_wait3A_232 : memref<1x128x128xf32, #tpu.memory_space<vmem>> -> memref<128x128xf32, #tpu.memory_space<vmem>>
    tpu.wait_dma2 semaphore(%arg14 : memref<!tpu.dma_semaphore, #tpu.memory_space<semaphore_mem>>) src(%dma_wait3A_233 : memref<128x128xf32, #tpu.memory_space<vmem>>) dst(%dma_wait3A_229 : memref<128x128xf32, #tpu.memory_space<hbm>>)
    %dma_start3A_234 = arith.constant 195 : i32
    %dma_start3A_235 = arith.constant 0 : i32
    %dma_start3A_236 = arith.constant 0 : i32
    %dma_start3A_237 = arith.constant 0 : i32
    %dma_start3A_238 = tpu.memref_slice %arg6[%dma_start3A_235, %dma_start3A_236, %dma_start3A_237] : memref<5x128x128xf32, #tpu.memory_space<vmem>> -> memref<1x128x128xf32, #tpu.memory_space<vmem>>
    %dma_start3A_239 = tpu.memref_squeeze %dma_start3A_238 : memref<1x128x128xf32, #tpu.memory_space<vmem>> -> memref<128x128xf32, #tpu.memory_space<vmem>>
    %dma_start3A_240 = arith.constant 0 : i32
    %dma_start3A_241 = tpu.memref_slice %arg5[%dma_start3A_234, %dma_start3A_240] : memref<200x128xi32, #tpu.memory_space<vmem>> -> memref<1x128xi32, #tpu.memory_space<vmem>>
    %dma_start3A_242 = tpu.memref_squeeze %dma_start3A_241 : memref<1x128xi32, #tpu.memory_space<vmem>> -> memref<128xi32, #tpu.memory_space<vmem>>
    %dma_start3A_243 = arith.constant 0 : i32
    %dma_start3A_244 = arith.constant 0 : i32
    %dma_start3A_245 = tpu.memref_slice %arg7[%dma_start3A_243, %dma_start3A_244] : memref<1000x128xf32, #tpu.memory_space<vmem_shared>> -> memref<1000x128xf32, #tpu.memory_space<vmem_shared>>
    tpu.enqueue_indirect_dma source(%dma_start3A_245 : memref<1000x128xf32, #tpu.memory_space<vmem_shared>>) target(%dma_start3A_239 : memref<128x128xf32, #tpu.memory_space<vmem>>) offsets(%dma_start3A_242 : memref<128xi32, #tpu.memory_space<vmem>>) semaphore(%arg8 : memref<!tpu.dma_semaphore, #tpu.memory_space<semaphore_mem>>)
    %dma_start3A_246 = arith.constant 196 : i32
    %dma_start3A_247 = arith.constant 1 : i32
    %dma_start3A_248 = arith.constant 0 : i32
    %dma_start3A_249 = arith.constant 0 : i32
    %dma_start3A_250 = tpu.memref_slice %arg6[%dma_start3A_247, %dma_start3A_248, %dma_start3A_249] : memref<5x128x128xf32, #tpu.memory_space<vmem>> -> memref<1x128x128xf32, #tpu.memory_space<vmem>>
    %dma_start3A_251 = tpu.memref_squeeze %dma_start3A_250 : memref<1x128x128xf32, #tpu.memory_space<vmem>> -> memref<128x128xf32, #tpu.memory_space<vmem>>
    %dma_start3A_252 = arith.constant 0 : i32
    %dma_start3A_253 = tpu.memref_slice %arg5[%dma_start3A_246, %dma_start3A_252] : memref<200x128xi32, #tpu.memory_space<vmem>> -> memref<1x128xi32, #tpu.memory_space<vmem>>
    %dma_start3A_254 = tpu.memref_squeeze %dma_start3A_253 : memref<1x128xi32, #tpu.memory_space<vmem>> -> memref<128xi32, #tpu.memory_space<vmem>>
    %dma_start3A_255 = arith.constant 0 : i32
    %dma_start3A_256 = arith.constant 0 : i32
    %dma_start3A_257 = tpu.memref_slice %arg7[%dma_start3A_255, %dma_start3A_256] : memref<1000x128xf32, #tpu.memory_space<vmem_shared>> -> memref<1000x128xf32, #tpu.memory_space<vmem_shared>>
    tpu.enqueue_indirect_dma source(%dma_start3A_257 : memref<1000x128xf32, #tpu.memory_space<vmem_shared>>) target(%dma_start3A_251 : memref<128x128xf32, #tpu.memory_space<vmem>>) offsets(%dma_start3A_254 : memref<128xi32, #tpu.memory_space<vmem>>) semaphore(%arg9 : memref<!tpu.dma_semaphore, #tpu.memory_space<semaphore_mem>>)
    %dma_wait3A_258 = arith.constant 0 : i32
    %dma_wait3A_259 = arith.constant 4 : i32
    %dma_wait3A_260 = arith.constant 0 : i32
    %dma_wait3A_261 = arith.constant 0 : i32
    %dma_wait3A_262 = tpu.memref_slice %arg6[%dma_wait3A_259, %dma_wait3A_260, %dma_wait3A_261] : memref<5x128x128xf32, #tpu.memory_space<vmem>> -> memref<1x128x128xf32, #tpu.memory_space<vmem>>
    %dma_wait3A_263 = tpu.memref_squeeze %dma_wait3A_262 : memref<1x128x128xf32, #tpu.memory_space<vmem>> -> memref<128x128xf32, #tpu.memory_space<vmem>>
    %dma_wait3A_264 = arith.constant 0 : i32
    %dma_wait3A_265 = tpu.memref_slice %arg5[%dma_wait3A_258, %dma_wait3A_264] : memref<200x128xi32, #tpu.memory_space<vmem>> -> memref<1x128xi32, #tpu.memory_space<vmem>>
    %dma_wait3A_266 = tpu.memref_squeeze %dma_wait3A_265 : memref<1x128xi32, #tpu.memory_space<vmem>> -> memref<128xi32, #tpu.memory_space<vmem>>
    %dma_wait3A_267 = arith.constant 0 : i32
    %dma_wait3A_268 = arith.constant 0 : i32
    %dma_wait3A_269 = tpu.memref_slice %arg7[%dma_wait3A_267, %dma_wait3A_268] : memref<1000x128xf32, #tpu.memory_space<vmem_shared>> -> memref<1000x128xf32, #tpu.memory_space<vmem_shared>>
    tpu.wait_indirect_dma semaphore(%arg12 : memref<!tpu.dma_semaphore, #tpu.memory_space<semaphore_mem>>) src(%dma_wait3A_269 : memref<1000x128xf32, #tpu.memory_space<vmem_shared>>) dst(%dma_wait3A_263 : memref<128x128xf32, #tpu.memory_space<vmem>>)
    %dma_wait3A_270 = arith.constant 0 : i32
    %dma_wait3A_271 = arith.constant 0 : i32
    %dma_wait3A_272 = arith.constant 0 : i32
    %dma_wait3A_273 = arith.constant 0 : i32
    %dma_wait3A_274 = tpu.memref_slice %arg6[%dma_wait3A_271, %dma_wait3A_272, %dma_wait3A_273] : memref<5x128x128xf32, #tpu.memory_space<vmem>> -> memref<1x128x128xf32, #tpu.memory_space<vmem>>
    %dma_wait3A_275 = tpu.memref_squeeze %dma_wait3A_274 : memref<1x128x128xf32, #tpu.memory_space<vmem>> -> memref<128x128xf32, #tpu.memory_space<vmem>>
    %dma_wait3A_276 = arith.constant 0 : i32
    %dma_wait3A_277 = tpu.memref_slice %arg5[%dma_wait3A_270, %dma_wait3A_276] : memref<200x128xi32, #tpu.memory_space<vmem>> -> memref<1x128xi32, #tpu.memory_space<vmem>>
    %dma_wait3A_278 = tpu.memref_squeeze %dma_wait3A_277 : memref<1x128xi32, #tpu.memory_space<vmem>> -> memref<128xi32, #tpu.memory_space<vmem>>
    %dma_wait3A_279 = arith.constant 0 : i32
    %dma_wait3A_280 = arith.constant 0 : i32
    %dma_wait3A_281 = tpu.memref_slice %arg7[%dma_wait3A_279, %dma_wait3A_280] : memref<1000x128xf32, #tpu.memory_space<vmem_shared>> -> memref<1000x128xf32, #tpu.memory_space<vmem_shared>>
    tpu.wait_indirect_dma semaphore(%arg8 : memref<!tpu.dma_semaphore, #tpu.memory_space<semaphore_mem>>) src(%dma_wait3A_281 : memref<1000x128xf32, #tpu.memory_space<vmem_shared>>) dst(%dma_wait3A_275 : memref<128x128xf32, #tpu.memory_space<vmem>>)
    %add3A_282 = arith.constant 194 : i32
    %add3A_283 = arith.addi %mul3A_2, %add3A_282 : i32
    %dma_start3A_284 = arith.constant 4 : i32
    %dma_start3A_285 = arith.constant 0 : i32
    %dma_start3A_286 = arith.constant 0 : i32
    %dma_start3A_287 = tpu.memref_slice %arg6[%dma_start3A_284, %dma_start3A_285, %dma_start3A_286] : memref<5x128x128xf32, #tpu.memory_space<vmem>> -> memref<1x128x128xf32, #tpu.memory_space<vmem>>
    %dma_start3A_288 = tpu.memref_squeeze %dma_start3A_287 : memref<1x128x128xf32, #tpu.memory_space<vmem>> -> memref<128x128xf32, #tpu.memory_space<vmem>>
    %dma_start3A_289 = arith.constant 0 : i32
    %dma_start3A_290 = arith.constant 0 : i32
    %dma_start3A_291 = tpu.memref_slice %arg4[%add3A_283, %dma_start3A_289, %dma_start3A_290] : memref<6400x128x128xf32, #tpu.memory_space<hbm>> -> memref<1x128x128xf32, #tpu.memory_space<hbm>>
    %dma_start3A_292 = tpu.memref_squeeze %dma_start3A_291 : memref<1x128x128xf32, #tpu.memory_space<hbm>> -> memref<128x128xf32, #tpu.memory_space<hbm>>
    %dma_start3A_293 = arith.constant 0 : i32
    %dma_start3A_294 = arith.constant 0 : i32
    %dma_start3A_295 = tpu.memref_slice %arg4[%add3A_283, %dma_start3A_293, %dma_start3A_294] : memref<6400x128x128xf32, #tpu.memory_space<hbm>> -> memref<1x128x128xf32, #tpu.memory_space<hbm>>
    %dma_start3A_296 = tpu.memref_squeeze %dma_start3A_295 : memref<1x128x128xf32, #tpu.memory_space<hbm>> -> memref<128x128xf32, #tpu.memory_space<hbm>>
    %dma_start3A_297 = arith.constant 0 : i32
    %dma_start3A_298 = arith.constant 0 : i32
    %dma_start3A_299 = tpu.memref_slice %arg6[%dma_start3A_284, %dma_start3A_297, %dma_start3A_298] : memref<5x128x128xf32, #tpu.memory_space<vmem>> -> memref<1x128x128xf32, #tpu.memory_space<vmem>>
    %dma_start3A_300 = tpu.memref_squeeze %dma_start3A_299 : memref<1x128x128xf32, #tpu.memory_space<vmem>> -> memref<128x128xf32, #tpu.memory_space<vmem>>
    tpu.enqueue_dma source(%dma_start3A_300 : memref<128x128xf32, #tpu.memory_space<vmem>>) target(%dma_start3A_296 : memref<128x128xf32, #tpu.memory_space<hbm>>) target_semaphore(%arg17 : memref<!tpu.dma_semaphore, #tpu.memory_space<semaphore_mem>>)
    %add3A_301 = arith.constant 195 : i32
    %add3A_302 = arith.addi %mul3A_2, %add3A_301 : i32
    %dma_start3A_303 = arith.constant 0 : i32
    %dma_start3A_304 = arith.constant 0 : i32
    %dma_start3A_305 = arith.constant 0 : i32
    %dma_start3A_306 = tpu.memref_slice %arg6[%dma_start3A_303, %dma_start3A_304, %dma_start3A_305] : memref<5x128x128xf32, #tpu.memory_space<vmem>> -> memref<1x128x128xf32, #tpu.memory_space<vmem>>
    %dma_start3A_307 = tpu.memref_squeeze %dma_start3A_306 : memref<1x128x128xf32, #tpu.memory_space<vmem>> -> memref<128x128xf32, #tpu.memory_space<vmem>>
    %dma_start3A_308 = arith.constant 0 : i32
    %dma_start3A_309 = arith.constant 0 : i32
    %dma_start3A_310 = tpu.memref_slice %arg4[%add3A_302, %dma_start3A_308, %dma_start3A_309] : memref<6400x128x128xf32, #tpu.memory_space<hbm>> -> memref<1x128x128xf32, #tpu.memory_space<hbm>>
    %dma_start3A_311 = tpu.memref_squeeze %dma_start3A_310 : memref<1x128x128xf32, #tpu.memory_space<hbm>> -> memref<128x128xf32, #tpu.memory_space<hbm>>
    %dma_start3A_312 = arith.constant 0 : i32
    %dma_start3A_313 = arith.constant 0 : i32
    %dma_start3A_314 = tpu.memref_slice %arg4[%add3A_302, %dma_start3A_312, %dma_start3A_313] : memref<6400x128x128xf32, #tpu.memory_space<hbm>> -> memref<1x128x128xf32, #tpu.memory_space<hbm>>
    %dma_start3A_315 = tpu.memref_squeeze %dma_start3A_314 : memref<1x128x128xf32, #tpu.memory_space<hbm>> -> memref<128x128xf32, #tpu.memory_space<hbm>>
    %dma_start3A_316 = arith.constant 0 : i32
    %dma_start3A_317 = arith.constant 0 : i32
    %dma_start3A_318 = tpu.memref_slice %arg6[%dma_start3A_303, %dma_start3A_316, %dma_start3A_317] : memref<5x128x128xf32, #tpu.memory_space<vmem>> -> memref<1x128x128xf32, #tpu.memory_space<vmem>>
    %dma_start3A_319 = tpu.memref_squeeze %dma_start3A_318 : memref<1x128x128xf32, #tpu.memory_space<vmem>> -> memref<128x128xf32, #tpu.memory_space<vmem>>
    tpu.enqueue_dma source(%dma_start3A_319 : memref<128x128xf32, #tpu.memory_space<vmem>>) target(%dma_start3A_315 : memref<128x128xf32, #tpu.memory_space<hbm>>) target_semaphore(%arg13 : memref<!tpu.dma_semaphore, #tpu.memory_space<semaphore_mem>>)
    %dma_wait3A_320 = arith.constant 2 : i32
    %dma_wait3A_321 = arith.constant 0 : i32
    %dma_wait3A_322 = arith.constant 0 : i32
    %dma_wait3A_323 = tpu.memref_slice %arg6[%dma_wait3A_320, %dma_wait3A_321, %dma_wait3A_322] : memref<5x128x128xf32, #tpu.memory_space<vmem>> -> memref<1x128x128xf32, #tpu.memory_space<vmem>>
    %dma_wait3A_324 = tpu.memref_squeeze %dma_wait3A_323 : memref<1x128x128xf32, #tpu.memory_space<vmem>> -> memref<128x128xf32, #tpu.memory_space<vmem>>
    %dma_wait3A_325 = arith.constant 0 : i32
    %dma_wait3A_326 = arith.constant 0 : i32
    %dma_wait3A_327 = tpu.memref_slice %arg4[%mul3A_2, %dma_wait3A_325, %dma_wait3A_326] : memref<6400x128x128xf32, #tpu.memory_space<hbm>> -> memref<1x128x128xf32, #tpu.memory_space<hbm>>
    %dma_wait3A_328 = tpu.memref_squeeze %dma_wait3A_327 : memref<1x128x128xf32, #tpu.memory_space<hbm>> -> memref<128x128xf32, #tpu.memory_space<hbm>>
    %dma_wait3A_329 = arith.constant 0 : i32
    %dma_wait3A_330 = arith.constant 0 : i32
    %dma_wait3A_331 = tpu.memref_slice %arg4[%mul3A_2, %dma_wait3A_329, %dma_wait3A_330] : memref<6400x128x128xf32, #tpu.memory_space<hbm>> -> memref<1x128x128xf32, #tpu.memory_space<hbm>>
    %dma_wait3A_332 = tpu.memref_squeeze %dma_wait3A_331 : memref<1x128x128xf32, #tpu.memory_space<hbm>> -> memref<128x128xf32, #tpu.memory_space<hbm>>
    %dma_wait3A_333 = arith.constant 0 : i32
    %dma_wait3A_334 = arith.constant 0 : i32
    %dma_wait3A_335 = tpu.memref_slice %arg6[%dma_wait3A_320, %dma_wait3A_333, %dma_wait3A_334] : memref<5x128x128xf32, #tpu.memory_space<vmem>> -> memref<1x128x128xf32, #tpu.memory_space<vmem>>
    %dma_wait3A_336 = tpu.memref_squeeze %dma_wait3A_335 : memref<1x128x128xf32, #tpu.memory_space<vmem>> -> memref<128x128xf32, #tpu.memory_space<vmem>>
    tpu.wait_dma2 semaphore(%arg15 : memref<!tpu.dma_semaphore, #tpu.memory_space<semaphore_mem>>) src(%dma_wait3A_336 : memref<128x128xf32, #tpu.memory_space<vmem>>) dst(%dma_wait3A_332 : memref<128x128xf32, #tpu.memory_space<hbm>>)
    %dma_wait3A_337 = arith.constant 3 : i32
    %dma_wait3A_338 = arith.constant 0 : i32
    %dma_wait3A_339 = arith.constant 0 : i32
    %dma_wait3A_340 = tpu.memref_slice %arg6[%dma_wait3A_337, %dma_wait3A_338, %dma_wait3A_339] : memref<5x128x128xf32, #tpu.memory_space<vmem>> -> memref<1x128x128xf32, #tpu.memory_space<vmem>>
    %dma_wait3A_341 = tpu.memref_squeeze %dma_wait3A_340 : memref<1x128x128xf32, #tpu.memory_space<vmem>> -> memref<128x128xf32, #tpu.memory_space<vmem>>
    %dma_wait3A_342 = arith.constant 0 : i32
    %dma_wait3A_343 = arith.constant 0 : i32
    %dma_wait3A_344 = tpu.memref_slice %arg4[%mul3A_2, %dma_wait3A_342, %dma_wait3A_343] : memref<6400x128x128xf32, #tpu.memory_space<hbm>> -> memref<1x128x128xf32, #tpu.memory_space<hbm>>
    %dma_wait3A_345 = tpu.memref_squeeze %dma_wait3A_344 : memref<1x128x128xf32, #tpu.memory_space<hbm>> -> memref<128x128xf32, #tpu.memory_space<hbm>>
    %dma_wait3A_346 = arith.constant 0 : i32
    %dma_wait3A_347 = arith.constant 0 : i32
    %dma_wait3A_348 = tpu.memref_slice %arg4[%mul3A_2, %dma_wait3A_346, %dma_wait3A_347] : memref<6400x128x128xf32, #tpu.memory_space<hbm>> -> memref<1x128x128xf32, #tpu.memory_space<hbm>>
    %dma_wait3A_349 = tpu.memref_squeeze %dma_wait3A_348 : memref<1x128x128xf32, #tpu.memory_space<hbm>> -> memref<128x128xf32, #tpu.memory_space<hbm>>
    %dma_wait3A_350 = arith.constant 0 : i32
    %dma_wait3A_351 = arith.constant 0 : i32
    %dma_wait3A_352 = tpu.memref_slice %arg6[%dma_wait3A_337, %dma_wait3A_350, %dma_wait3A_351] : memref<5x128x128xf32, #tpu.memory_space<vmem>> -> memref<1x128x128xf32, #tpu.memory_space<vmem>>
    %dma_wait3A_353 = tpu.memref_squeeze %dma_wait3A_352 : memref<1x128x128xf32, #tpu.memory_space<vmem>> -> memref<128x128xf32, #tpu.memory_space<vmem>>
    tpu.wait_dma2 semaphore(%arg16 : memref<!tpu.dma_semaphore, #tpu.memory_space<semaphore_mem>>) src(%dma_wait3A_353 : memref<128x128xf32, #tpu.memory_space<vmem>>) dst(%dma_wait3A_349 : memref<128x128xf32, #tpu.memory_space<hbm>>)
    %dma_start3A_354 = arith.constant 197 : i32
    %dma_start3A_355 = arith.constant 2 : i32
    %dma_start3A_356 = arith.constant 0 : i32
    %dma_start3A_357 = arith.constant 0 : i32
    %dma_start3A_358 = tpu.memref_slice %arg6[%dma_start3A_355, %dma_start3A_356, %dma_start3A_357] : memref<5x128x128xf32, #tpu.memory_space<vmem>> -> memref<1x128x128xf32, #tpu.memory_space<vmem>>
    %dma_start3A_359 = tpu.memref_squeeze %dma_start3A_358 : memref<1x128x128xf32, #tpu.memory_space<vmem>> -> memref<128x128xf32, #tpu.memory_space<vmem>>
    %dma_start3A_360 = arith.constant 0 : i32
    %dma_start3A_361 = tpu.memref_slice %arg5[%dma_start3A_354, %dma_start3A_360] : memref<200x128xi32, #tpu.memory_space<vmem>> -> memref<1x128xi32, #tpu.memory_space<vmem>>
    %dma_start3A_362 = tpu.memref_squeeze %dma_start3A_361 : memref<1x128xi32, #tpu.memory_space<vmem>> -> memref<128xi32, #tpu.memory_space<vmem>>
    %dma_start3A_363 = arith.constant 0 : i32
    %dma_start3A_364 = arith.constant 0 : i32
    %dma_start3A_365 = tpu.memref_slice %arg7[%dma_start3A_363, %dma_start3A_364] : memref<1000x128xf32, #tpu.memory_space<vmem_shared>> -> memref<1000x128xf32, #tpu.memory_space<vmem_shared>>
    tpu.enqueue_indirect_dma source(%dma_start3A_365 : memref<1000x128xf32, #tpu.memory_space<vmem_shared>>) target(%dma_start3A_359 : memref<128x128xf32, #tpu.memory_space<vmem>>) offsets(%dma_start3A_362 : memref<128xi32, #tpu.memory_space<vmem>>) semaphore(%arg10 : memref<!tpu.dma_semaphore, #tpu.memory_space<semaphore_mem>>)
    %dma_start3A_366 = arith.constant 198 : i32
    %dma_start3A_367 = arith.constant 3 : i32
    %dma_start3A_368 = arith.constant 0 : i32
    %dma_start3A_369 = arith.constant 0 : i32
    %dma_start3A_370 = tpu.memref_slice %arg6[%dma_start3A_367, %dma_start3A_368, %dma_start3A_369] : memref<5x128x128xf32, #tpu.memory_space<vmem>> -> memref<1x128x128xf32, #tpu.memory_space<vmem>>
    %dma_start3A_371 = tpu.memref_squeeze %dma_start3A_370 : memref<1x128x128xf32, #tpu.memory_space<vmem>> -> memref<128x128xf32, #tpu.memory_space<vmem>>
    %dma_start3A_372 = arith.constant 0 : i32
    %dma_start3A_373 = tpu.memref_slice %arg5[%dma_start3A_366, %dma_start3A_372] : memref<200x128xi32, #tpu.memory_space<vmem>> -> memref<1x128xi32, #tpu.memory_space<vmem>>
    %dma_start3A_374 = tpu.memref_squeeze %dma_start3A_373 : memref<1x128xi32, #tpu.memory_space<vmem>> -> memref<128xi32, #tpu.memory_space<vmem>>
    %dma_start3A_375 = arith.constant 0 : i32
    %dma_start3A_376 = arith.constant 0 : i32
    %dma_start3A_377 = tpu.memref_slice %arg7[%dma_start3A_375, %dma_start3A_376] : memref<1000x128xf32, #tpu.memory_space<vmem_shared>> -> memref<1000x128xf32, #tpu.memory_space<vmem_shared>>
    tpu.enqueue_indirect_dma source(%dma_start3A_377 : memref<1000x128xf32, #tpu.memory_space<vmem_shared>>) target(%dma_start3A_371 : memref<128x128xf32, #tpu.memory_space<vmem>>) offsets(%dma_start3A_374 : memref<128xi32, #tpu.memory_space<vmem>>) semaphore(%arg11 : memref<!tpu.dma_semaphore, #tpu.memory_space<semaphore_mem>>)
    %dma_wait3A_378 = arith.constant 0 : i32
    %dma_wait3A_379 = arith.constant 1 : i32
    %dma_wait3A_380 = arith.constant 0 : i32
    %dma_wait3A_381 = arith.constant 0 : i32
    %dma_wait3A_382 = tpu.memref_slice %arg6[%dma_wait3A_379, %dma_wait3A_380, %dma_wait3A_381] : memref<5x128x128xf32, #tpu.memory_space<vmem>> -> memref<1x128x128xf32, #tpu.memory_space<vmem>>
    %dma_wait3A_383 = tpu.memref_squeeze %dma_wait3A_382 : memref<1x128x128xf32, #tpu.memory_space<vmem>> -> memref<128x128xf32, #tpu.memory_space<vmem>>
    %dma_wait3A_384 = arith.constant 0 : i32
    %dma_wait3A_385 = tpu.memref_slice %arg5[%dma_wait3A_378, %dma_wait3A_384] : memref<200x128xi32, #tpu.memory_space<vmem>> -> memref<1x128xi32, #tpu.memory_space<vmem>>
    %dma_wait3A_386 = tpu.memref_squeeze %dma_wait3A_385 : memref<1x128xi32, #tpu.memory_space<vmem>> -> memref<128xi32, #tpu.memory_space<vmem>>
    %dma_wait3A_387 = arith.constant 0 : i32
    %dma_wait3A_388 = arith.constant 0 : i32
    %dma_wait3A_389 = tpu.memref_slice %arg7[%dma_wait3A_387, %dma_wait3A_388] : memref<1000x128xf32, #tpu.memory_space<vmem_shared>> -> memref<1000x128xf32, #tpu.memory_space<vmem_shared>>
    tpu.wait_indirect_dma semaphore(%arg9 : memref<!tpu.dma_semaphore, #tpu.memory_space<semaphore_mem>>) src(%dma_wait3A_389 : memref<1000x128xf32, #tpu.memory_space<vmem_shared>>) dst(%dma_wait3A_383 : memref<128x128xf32, #tpu.memory_space<vmem>>)
    %dma_wait3A_390 = arith.constant 0 : i32
    %dma_wait3A_391 = arith.constant 2 : i32
    %dma_wait3A_392 = arith.constant 0 : i32
    %dma_wait3A_393 = arith.constant 0 : i32
    %dma_wait3A_394 = tpu.memref_slice %arg6[%dma_wait3A_391, %dma_wait3A_392, %dma_wait3A_393] : memref<5x128x128xf32, #tpu.memory_space<vmem>> -> memref<1x128x128xf32, #tpu.memory_space<vmem>>
    %dma_wait3A_395 = tpu.memref_squeeze %dma_wait3A_394 : memref<1x128x128xf32, #tpu.memory_space<vmem>> -> memref<128x128xf32, #tpu.memory_space<vmem>>
    %dma_wait3A_396 = arith.constant 0 : i32
    %dma_wait3A_397 = tpu.memref_slice %arg5[%dma_wait3A_390, %dma_wait3A_396] : memref<200x128xi32, #tpu.memory_space<vmem>> -> memref<1x128xi32, #tpu.memory_space<vmem>>
    %dma_wait3A_398 = tpu.memref_squeeze %dma_wait3A_397 : memref<1x128xi32, #tpu.memory_space<vmem>> -> memref<128xi32, #tpu.memory_space<vmem>>
    %dma_wait3A_399 = arith.constant 0 : i32
    %dma_wait3A_400 = arith.constant 0 : i32
    %dma_wait3A_401 = tpu.memref_slice %arg7[%dma_wait3A_399, %dma_wait3A_400] : memref<1000x128xf32, #tpu.memory_space<vmem_shared>> -> memref<1000x128xf32, #tpu.memory_space<vmem_shared>>
    tpu.wait_indirect_dma semaphore(%arg10 : memref<!tpu.dma_semaphore, #tpu.memory_space<semaphore_mem>>) src(%dma_wait3A_401 : memref<1000x128xf32, #tpu.memory_space<vmem_shared>>) dst(%dma_wait3A_395 : memref<128x128xf32, #tpu.memory_space<vmem>>)
    %add3A_402 = arith.constant 196 : i32
    %add3A_403 = arith.addi %mul3A_2, %add3A_402 : i32
    %dma_start3A_404 = arith.constant 1 : i32
    %dma_start3A_405 = arith.constant 0 : i32
    %dma_start3A_406 = arith.constant 0 : i32
    %dma_start3A_407 = tpu.memref_slice %arg6[%dma_start3A_404, %dma_start3A_405, %dma_start3A_406] : memref<5x128x128xf32, #tpu.memory_space<vmem>> -> memref<1x128x128xf32, #tpu.memory_space<vmem>>
    %dma_start3A_408 = tpu.memref_squeeze %dma_start3A_407 : memref<1x128x128xf32, #tpu.memory_space<vmem>> -> memref<128x128xf32, #tpu.memory_space<vmem>>
    %dma_start3A_409 = arith.constant 0 : i32
    %dma_start3A_410 = arith.constant 0 : i32
    %dma_start3A_411 = tpu.memref_slice %arg4[%add3A_403, %dma_start3A_409, %dma_start3A_410] : memref<6400x128x128xf32, #tpu.memory_space<hbm>> -> memref<1x128x128xf32, #tpu.memory_space<hbm>>
    %dma_start3A_412 = tpu.memref_squeeze %dma_start3A_411 : memref<1x128x128xf32, #tpu.memory_space<hbm>> -> memref<128x128xf32, #tpu.memory_space<hbm>>
    %dma_start3A_413 = arith.constant 0 : i32
    %dma_start3A_414 = arith.constant 0 : i32
    %dma_start3A_415 = tpu.memref_slice %arg4[%add3A_403, %dma_start3A_413, %dma_start3A_414] : memref<6400x128x128xf32, #tpu.memory_space<hbm>> -> memref<1x128x128xf32, #tpu.memory_space<hbm>>
    %dma_start3A_416 = tpu.memref_squeeze %dma_start3A_415 : memref<1x128x128xf32, #tpu.memory_space<hbm>> -> memref<128x128xf32, #tpu.memory_space<hbm>>
    %dma_start3A_417 = arith.constant 0 : i32
    %dma_start3A_418 = arith.constant 0 : i32
    %dma_start3A_419 = tpu.memref_slice %arg6[%dma_start3A_404, %dma_start3A_417, %dma_start3A_418] : memref<5x128x128xf32, #tpu.memory_space<vmem>> -> memref<1x128x128xf32, #tpu.memory_space<vmem>>
    %dma_start3A_420 = tpu.memref_squeeze %dma_start3A_419 : memref<1x128x128xf32, #tpu.memory_space<vmem>> -> memref<128x128xf32, #tpu.memory_space<vmem>>
    tpu.enqueue_dma source(%dma_start3A_420 : memref<128x128xf32, #tpu.memory_space<vmem>>) target(%dma_start3A_416 : memref<128x128xf32, #tpu.memory_space<hbm>>) target_semaphore(%arg14 : memref<!tpu.dma_semaphore, #tpu.memory_space<semaphore_mem>>)
    %add3A_421 = arith.constant 197 : i32
    %add3A_422 = arith.addi %mul3A_2, %add3A_421 : i32
    %dma_start3A_423 = arith.constant 2 : i32
    %dma_start3A_424 = arith.constant 0 : i32
    %dma_start3A_425 = arith.constant 0 : i32
    %dma_start3A_426 = tpu.memref_slice %arg6[%dma_start3A_423, %dma_start3A_424, %dma_start3A_425] : memref<5x128x128xf32, #tpu.memory_space<vmem>> -> memref<1x128x128xf32, #tpu.memory_space<vmem>>
    %dma_start3A_427 = tpu.memref_squeeze %dma_start3A_426 : memref<1x128x128xf32, #tpu.memory_space<vmem>> -> memref<128x128xf32, #tpu.memory_space<vmem>>
    %dma_start3A_428 = arith.constant 0 : i32
    %dma_start3A_429 = arith.constant 0 : i32
    %dma_start3A_430 = tpu.memref_slice %arg4[%add3A_422, %dma_start3A_428, %dma_start3A_429] : memref<6400x128x128xf32, #tpu.memory_space<hbm>> -> memref<1x128x128xf32, #tpu.memory_space<hbm>>
    %dma_start3A_431 = tpu.memref_squeeze %dma_start3A_430 : memref<1x128x128xf32, #tpu.memory_space<hbm>> -> memref<128x128xf32, #tpu.memory_space<hbm>>
    %dma_start3A_432 = arith.constant 0 : i32
    %dma_start3A_433 = arith.constant 0 : i32
    %dma_start3A_434 = tpu.memref_slice %arg4[%add3A_422, %dma_start3A_432, %dma_start3A_433] : memref<6400x128x128xf32, #tpu.memory_space<hbm>> -> memref<1x128x128xf32, #tpu.memory_space<hbm>>
    %dma_start3A_435 = tpu.memref_squeeze %dma_start3A_434 : memref<1x128x128xf32, #tpu.memory_space<hbm>> -> memref<128x128xf32, #tpu.memory_space<hbm>>
    %dma_start3A_436 = arith.constant 0 : i32
    %dma_start3A_437 = arith.constant 0 : i32
    %dma_start3A_438 = tpu.memref_slice %arg6[%dma_start3A_423, %dma_start3A_436, %dma_start3A_437] : memref<5x128x128xf32, #tpu.memory_space<vmem>> -> memref<1x128x128xf32, #tpu.memory_space<vmem>>
    %dma_start3A_439 = tpu.memref_squeeze %dma_start3A_438 : memref<1x128x128xf32, #tpu.memory_space<vmem>> -> memref<128x128xf32, #tpu.memory_space<vmem>>
    tpu.enqueue_dma source(%dma_start3A_439 : memref<128x128xf32, #tpu.memory_space<vmem>>) target(%dma_start3A_435 : memref<128x128xf32, #tpu.memory_space<hbm>>) target_semaphore(%arg15 : memref<!tpu.dma_semaphore, #tpu.memory_space<semaphore_mem>>)
    %dma_wait3A_440 = arith.constant 4 : i32
    %dma_wait3A_441 = arith.constant 0 : i32
    %dma_wait3A_442 = arith.constant 0 : i32
    %dma_wait3A_443 = tpu.memref_slice %arg6[%dma_wait3A_440, %dma_wait3A_441, %dma_wait3A_442] : memref<5x128x128xf32, #tpu.memory_space<vmem>> -> memref<1x128x128xf32, #tpu.memory_space<vmem>>
    %dma_wait3A_444 = tpu.memref_squeeze %dma_wait3A_443 : memref<1x128x128xf32, #tpu.memory_space<vmem>> -> memref<128x128xf32, #tpu.memory_space<vmem>>
    %dma_wait3A_445 = arith.constant 0 : i32
    %dma_wait3A_446 = arith.constant 0 : i32
    %dma_wait3A_447 = tpu.memref_slice %arg4[%mul3A_2, %dma_wait3A_445, %dma_wait3A_446] : memref<6400x128x128xf32, #tpu.memory_space<hbm>> -> memref<1x128x128xf32, #tpu.memory_space<hbm>>
    %dma_wait3A_448 = tpu.memref_squeeze %dma_wait3A_447 : memref<1x128x128xf32, #tpu.memory_space<hbm>> -> memref<128x128xf32, #tpu.memory_space<hbm>>
    %dma_wait3A_449 = arith.constant 0 : i32
    %dma_wait3A_450 = arith.constant 0 : i32
    %dma_wait3A_451 = tpu.memref_slice %arg4[%mul3A_2, %dma_wait3A_449, %dma_wait3A_450] : memref<6400x128x128xf32, #tpu.memory_space<hbm>> -> memref<1x128x128xf32, #tpu.memory_space<hbm>>
    %dma_wait3A_452 = tpu.memref_squeeze %dma_wait3A_451 : memref<1x128x128xf32, #tpu.memory_space<hbm>> -> memref<128x128xf32, #tpu.memory_space<hbm>>
    %dma_wait3A_453 = arith.constant 0 : i32
    %dma_wait3A_454 = arith.constant 0 : i32
    %dma_wait3A_455 = tpu.memref_slice %arg6[%dma_wait3A_440, %dma_wait3A_453, %dma_wait3A_454] : memref<5x128x128xf32, #tpu.memory_space<vmem>> -> memref<1x128x128xf32, #tpu.memory_space<vmem>>
    %dma_wait3A_456 = tpu.memref_squeeze %dma_wait3A_455 : memref<1x128x128xf32, #tpu.memory_space<vmem>> -> memref<128x128xf32, #tpu.memory_space<vmem>>
    tpu.wait_dma2 semaphore(%arg17 : memref<!tpu.dma_semaphore, #tpu.memory_space<semaphore_mem>>) src(%dma_wait3A_456 : memref<128x128xf32, #tpu.memory_space<vmem>>) dst(%dma_wait3A_452 : memref<128x128xf32, #tpu.memory_space<hbm>>)
    %dma_wait3A_457 = arith.constant 0 : i32
    %dma_wait3A_458 = arith.constant 0 : i32
    %dma_wait3A_459 = arith.constant 0 : i32
    %dma_wait3A_460 = tpu.memref_slice %arg6[%dma_wait3A_457, %dma_wait3A_458, %dma_wait3A_459] : memref<5x128x128xf32, #tpu.memory_space<vmem>> -> memref<1x128x128xf32, #tpu.memory_space<vmem>>
    %dma_wait3A_461 = tpu.memref_squeeze %dma_wait3A_460 : memref<1x128x128xf32, #tpu.memory_space<vmem>> -> memref<128x128xf32, #tpu.memory_space<vmem>>
    %dma_wait3A_462 = arith.constant 0 : i32
    %dma_wait3A_463 = arith.constant 0 : i32
    %dma_wait3A_464 = tpu.memref_slice %arg4[%mul3A_2, %dma_wait3A_462, %dma_wait3A_463] : memref<6400x128x128xf32, #tpu.memory_space<hbm>> -> memref<1x128x128xf32, #tpu.memory_space<hbm>>
    %dma_wait3A_465 = tpu.memref_squeeze %dma_wait3A_464 : memref<1x128x128xf32, #tpu.memory_space<hbm>> -> memref<128x128xf32, #tpu.memory_space<hbm>>
    %dma_wait3A_466 = arith.constant 0 : i32
    %dma_wait3A_467 = arith.constant 0 : i32
    %dma_wait3A_468 = tpu.memref_slice %arg4[%mul3A_2, %dma_wait3A_466, %dma_wait3A_467] : memref<6400x128x128xf32, #tpu.memory_space<hbm>> -> memref<1x128x128xf32, #tpu.memory_space<hbm>>
    %dma_wait3A_469 = tpu.memref_squeeze %dma_wait3A_468 : memref<1x128x128xf32, #tpu.memory_space<hbm>> -> memref<128x128xf32, #tpu.memory_space<hbm>>
    %dma_wait3A_470 = arith.constant 0 : i32
    %dma_wait3A_471 = arith.constant 0 : i32
    %dma_wait3A_472 = tpu.memref_slice %arg6[%dma_wait3A_457, %dma_wait3A_470, %dma_wait3A_471] : memref<5x128x128xf32, #tpu.memory_space<vmem>> -> memref<1x128x128xf32, #tpu.memory_space<vmem>>
    %dma_wait3A_473 = tpu.memref_squeeze %dma_wait3A_472 : memref<1x128x128xf32, #tpu.memory_space<vmem>> -> memref<128x128xf32, #tpu.memory_space<vmem>>
    tpu.wait_dma2 semaphore(%arg13 : memref<!tpu.dma_semaphore, #tpu.memory_space<semaphore_mem>>) src(%dma_wait3A_473 : memref<128x128xf32, #tpu.memory_space<vmem>>) dst(%dma_wait3A_469 : memref<128x128xf32, #tpu.memory_space<hbm>>)
    %dma_start3A_474 = arith.constant 199 : i32
    %dma_start3A_475 = arith.constant 4 : i32
    %dma_start3A_476 = arith.constant 0 : i32
    %dma_start3A_477 = arith.constant 0 : i32
    %dma_start3A_478 = tpu.memref_slice %arg6[%dma_start3A_475, %dma_start3A_476, %dma_start3A_477] : memref<5x128x128xf32, #tpu.memory_space<vmem>> -> memref<1x128x128xf32, #tpu.memory_space<vmem>>
    %dma_start3A_479 = tpu.memref_squeeze %dma_start3A_478 : memref<1x128x128xf32, #tpu.memory_space<vmem>> -> memref<128x128xf32, #tpu.memory_space<vmem>>
    %dma_start3A_480 = arith.constant 0 : i32
    %dma_start3A_481 = tpu.memref_slice %arg5[%dma_start3A_474, %dma_start3A_480] : memref<200x128xi32, #tpu.memory_space<vmem>> -> memref<1x128xi32, #tpu.memory_space<vmem>>
    %dma_start3A_482 = tpu.memref_squeeze %dma_start3A_481 : memref<1x128xi32, #tpu.memory_space<vmem>> -> memref<128xi32, #tpu.memory_space<vmem>>
    %dma_start3A_483 = arith.constant 0 : i32
    %dma_start3A_484 = arith.constant 0 : i32
    %dma_start3A_485 = tpu.memref_slice %arg7[%dma_start3A_483, %dma_start3A_484] : memref<1000x128xf32, #tpu.memory_space<vmem_shared>> -> memref<1000x128xf32, #tpu.memory_space<vmem_shared>>
    tpu.enqueue_indirect_dma source(%dma_start3A_485 : memref<1000x128xf32, #tpu.memory_space<vmem_shared>>) target(%dma_start3A_479 : memref<128x128xf32, #tpu.memory_space<vmem>>) offsets(%dma_start3A_482 : memref<128xi32, #tpu.memory_space<vmem>>) semaphore(%arg12 : memref<!tpu.dma_semaphore, #tpu.memory_space<semaphore_mem>>)
    %dma_wait3A_486 = arith.constant 0 : i32
    %dma_wait3A_487 = arith.constant 3 : i32
    %dma_wait3A_488 = arith.constant 0 : i32
    %dma_wait3A_489 = arith.constant 0 : i32
    %dma_wait3A_490 = tpu.memref_slice %arg6[%dma_wait3A_487, %dma_wait3A_488, %dma_wait3A_489] : memref<5x128x128xf32, #tpu.memory_space<vmem>> -> memref<1x128x128xf32, #tpu.memory_space<vmem>>
    %dma_wait3A_491 = tpu.memref_squeeze %dma_wait3A_490 : memref<1x128x128xf32, #tpu.memory_space<vmem>> -> memref<128x128xf32, #tpu.memory_space<vmem>>
    %dma_wait3A_492 = arith.constant 0 : i32
    %dma_wait3A_493 = tpu.memref_slice %arg5[%dma_wait3A_486, %dma_wait3A_492] : memref<200x128xi32, #tpu.memory_space<vmem>> -> memref<1x128xi32, #tpu.memory_space<vmem>>
    %dma_wait3A_494 = tpu.memref_squeeze %dma_wait3A_493 : memref<1x128xi32, #tpu.memory_space<vmem>> -> memref<128xi32, #tpu.memory_space<vmem>>
    %dma_wait3A_495 = arith.constant 0 : i32
    %dma_wait3A_496 = arith.constant 0 : i32
    %dma_wait3A_497 = tpu.memref_slice %arg7[%dma_wait3A_495, %dma_wait3A_496] : memref<1000x128xf32, #tpu.memory_space<vmem_shared>> -> memref<1000x128xf32, #tpu.memory_space<vmem_shared>>
    tpu.wait_indirect_dma semaphore(%arg11 : memref<!tpu.dma_semaphore, #tpu.memory_space<semaphore_mem>>) src(%dma_wait3A_497 : memref<1000x128xf32, #tpu.memory_space<vmem_shared>>) dst(%dma_wait3A_491 : memref<128x128xf32, #tpu.memory_space<vmem>>)
    %dma_wait3A_498 = arith.constant 0 : i32
    %dma_wait3A_499 = arith.constant 4 : i32
    %dma_wait3A_500 = arith.constant 0 : i32
    %dma_wait3A_501 = arith.constant 0 : i32
    %dma_wait3A_502 = tpu.memref_slice %arg6[%dma_wait3A_499, %dma_wait3A_500, %dma_wait3A_501] : memref<5x128x128xf32, #tpu.memory_space<vmem>> -> memref<1x128x128xf32, #tpu.memory_space<vmem>>
    %dma_wait3A_503 = tpu.memref_squeeze %dma_wait3A_502 : memref<1x128x128xf32, #tpu.memory_space<vmem>> -> memref<128x128xf32, #tpu.memory_space<vmem>>
    %dma_wait3A_504 = arith.constant 0 : i32
    %dma_wait3A_505 = tpu.memref_slice %arg5[%dma_wait3A_498, %dma_wait3A_504] : memref<200x128xi32, #tpu.memory_space<vmem>> -> memref<1x128xi32, #tpu.memory_space<vmem>>
    %dma_wait3A_506 = tpu.memref_squeeze %dma_wait3A_505 : memref<1x128xi32, #tpu.memory_space<vmem>> -> memref<128xi32, #tpu.memory_space<vmem>>
    %dma_wait3A_507 = arith.constant 0 : i32
    %dma_wait3A_508 = arith.constant 0 : i32
    %dma_wait3A_509 = tpu.memref_slice %arg7[%dma_wait3A_507, %dma_wait3A_508] : memref<1000x128xf32, #tpu.memory_space<vmem_shared>> -> memref<1000x128xf32, #tpu.memory_space<vmem_shared>>
    tpu.wait_indirect_dma semaphore(%arg12 : memref<!tpu.dma_semaphore, #tpu.memory_space<semaphore_mem>>) src(%dma_wait3A_509 : memref<1000x128xf32, #tpu.memory_space<vmem_shared>>) dst(%dma_wait3A_503 : memref<128x128xf32, #tpu.memory_space<vmem>>)
    %add3A_510 = arith.constant 198 : i32
    %add3A_511 = arith.addi %mul3A_2, %add3A_510 : i32
    %dma_start3A_512 = arith.constant 3 : i32
    %dma_start3A_513 = arith.constant 0 : i32
    %dma_start3A_514 = arith.constant 0 : i32
    %dma_start3A_515 = tpu.memref_slice %arg6[%dma_start3A_512, %dma_start3A_513, %dma_start3A_514] : memref<5x128x128xf32, #tpu.memory_space<vmem>> -> memref<1x128x128xf32, #tpu.memory_space<vmem>>
    %dma_start3A_516 = tpu.memref_squeeze %dma_start3A_515 : memref<1x128x128xf32, #tpu.memory_space<vmem>> -> memref<128x128xf32, #tpu.memory_space<vmem>>
    %dma_start3A_517 = arith.constant 0 : i32
    %dma_start3A_518 = arith.constant 0 : i32
    %dma_start3A_519 = tpu.memref_slice %arg4[%add3A_511, %dma_start3A_517, %dma_start3A_518] : memref<6400x128x128xf32, #tpu.memory_space<hbm>> -> memref<1x128x128xf32, #tpu.memory_space<hbm>>
    %dma_start3A_520 = tpu.memref_squeeze %dma_start3A_519 : memref<1x128x128xf32, #tpu.memory_space<hbm>> -> memref<128x128xf32, #tpu.memory_space<hbm>>
    %dma_start3A_521 = arith.constant 0 : i32
    %dma_start3A_522 = arith.constant 0 : i32
    %dma_start3A_523 = tpu.memref_slice %arg4[%add3A_511, %dma_start3A_521, %dma_start3A_522] : memref<6400x128x128xf32, #tpu.memory_space<hbm>> -> memref<1x128x128xf32, #tpu.memory_space<hbm>>
    %dma_start3A_524 = tpu.memref_squeeze %dma_start3A_523 : memref<1x128x128xf32, #tpu.memory_space<hbm>> -> memref<128x128xf32, #tpu.memory_space<hbm>>
    %dma_start3A_525 = arith.constant 0 : i32
    %dma_start3A_526 = arith.constant 0 : i32
    %dma_start3A_527 = tpu.memref_slice %arg6[%dma_start3A_512, %dma_start3A_525, %dma_start3A_526] : memref<5x128x128xf32, #tpu.memory_space<vmem>> -> memref<1x128x128xf32, #tpu.memory_space<vmem>>
    %dma_start3A_528 = tpu.memref_squeeze %dma_start3A_527 : memref<1x128x128xf32, #tpu.memory_space<vmem>> -> memref<128x128xf32, #tpu.memory_space<vmem>>
    tpu.enqueue_dma source(%dma_start3A_528 : memref<128x128xf32, #tpu.memory_space<vmem>>) target(%dma_start3A_524 : memref<128x128xf32, #tpu.memory_space<hbm>>) target_semaphore(%arg16 : memref<!tpu.dma_semaphore, #tpu.memory_space<semaphore_mem>>)
    %add3A_529 = arith.constant 199 : i32
    %add3A_530 = arith.addi %mul3A_2, %add3A_529 : i32
    %dma_start3A_531 = arith.constant 4 : i32
    %dma_start3A_532 = arith.constant 0 : i32
    %dma_start3A_533 = arith.constant 0 : i32
    %dma_start3A_534 = tpu.memref_slice %arg6[%dma_start3A_531, %dma_start3A_532, %dma_start3A_533] : memref<5x128x128xf32, #tpu.memory_space<vmem>> -> memref<1x128x128xf32, #tpu.memory_space<vmem>>
    %dma_start3A_535 = tpu.memref_squeeze %dma_start3A_534 : memref<1x128x128xf32, #tpu.memory_space<vmem>> -> memref<128x128xf32, #tpu.memory_space<vmem>>
    %dma_start3A_536 = arith.constant 0 : i32
    %dma_start3A_537 = arith.constant 0 : i32
    %dma_start3A_538 = tpu.memref_slice %arg4[%add3A_530, %dma_start3A_536, %dma_start3A_537] : memref<6400x128x128xf32, #tpu.memory_space<hbm>> -> memref<1x128x128xf32, #tpu.memory_space<hbm>>
    %dma_start3A_539 = tpu.memref_squeeze %dma_start3A_538 : memref<1x128x128xf32, #tpu.memory_space<hbm>> -> memref<128x128xf32, #tpu.memory_space<hbm>>
    %dma_start3A_540 = arith.constant 0 : i32
    %dma_start3A_541 = arith.constant 0 : i32
    %dma_start3A_542 = tpu.memref_slice %arg4[%add3A_530, %dma_start3A_540, %dma_start3A_541] : memref<6400x128x128xf32, #tpu.memory_space<hbm>> -> memref<1x128x128xf32, #tpu.memory_space<hbm>>
    %dma_start3A_543 = tpu.memref_squeeze %dma_start3A_542 : memref<1x128x128xf32, #tpu.memory_space<hbm>> -> memref<128x128xf32, #tpu.memory_space<hbm>>
    %dma_start3A_544 = arith.constant 0 : i32
    %dma_start3A_545 = arith.constant 0 : i32
    %dma_start3A_546 = tpu.memref_slice %arg6[%dma_start3A_531, %dma_start3A_544, %dma_start3A_545] : memref<5x128x128xf32, #tpu.memory_space<vmem>> -> memref<1x128x128xf32, #tpu.memory_space<vmem>>
    %dma_start3A_547 = tpu.memref_squeeze %dma_start3A_546 : memref<1x128x128xf32, #tpu.memory_space<vmem>> -> memref<128x128xf32, #tpu.memory_space<vmem>>
    tpu.enqueue_dma source(%dma_start3A_547 : memref<128x128xf32, #tpu.memory_space<vmem>>) target(%dma_start3A_543 : memref<128x128xf32, #tpu.memory_space<hbm>>) target_semaphore(%arg17 : memref<!tpu.dma_semaphore, #tpu.memory_space<semaphore_mem>>)
    %dma_wait3A_548 = arith.constant 1 : i32
    %dma_wait3A_549 = arith.constant 0 : i32
    %dma_wait3A_550 = arith.constant 0 : i32
    %dma_wait3A_551 = tpu.memref_slice %arg6[%dma_wait3A_548, %dma_wait3A_549, %dma_wait3A_550] : memref<5x128x128xf32, #tpu.memory_space<vmem>> -> memref<1x128x128xf32, #tpu.memory_space<vmem>>
    %dma_wait3A_552 = tpu.memref_squeeze %dma_wait3A_551 : memref<1x128x128xf32, #tpu.memory_space<vmem>> -> memref<128x128xf32, #tpu.memory_space<vmem>>
    %dma_wait3A_553 = arith.constant 0 : i32
    %dma_wait3A_554 = arith.constant 0 : i32
    %dma_wait3A_555 = tpu.memref_slice %arg4[%mul3A_2, %dma_wait3A_553, %dma_wait3A_554] : memref<6400x128x128xf32, #tpu.memory_space<hbm>> -> memref<1x128x128xf32, #tpu.memory_space<hbm>>
    %dma_wait3A_556 = tpu.memref_squeeze %dma_wait3A_555 : memref<1x128x128xf32, #tpu.memory_space<hbm>> -> memref<128x128xf32, #tpu.memory_space<hbm>>
    %dma_wait3A_557 = arith.constant 0 : i32
    %dma_wait3A_558 = arith.constant 0 : i32
    %dma_wait3A_559 = tpu.memref_slice %arg4[%mul3A_2, %dma_wait3A_557, %dma_wait3A_558] : memref<6400x128x128xf32, #tpu.memory_space<hbm>> -> memref<1x128x128xf32, #tpu.memory_space<hbm>>
    %dma_wait3A_560 = tpu.memref_squeeze %dma_wait3A_559 : memref<1x128x128xf32, #tpu.memory_space<hbm>> -> memref<128x128xf32, #tpu.memory_space<hbm>>
    %dma_wait3A_561 = arith.constant 0 : i32
    %dma_wait3A_562 = arith.constant 0 : i32
    %dma_wait3A_563 = tpu.memref_slice %arg6[%dma_wait3A_548, %dma_wait3A_561, %dma_wait3A_562] : memref<5x128x128xf32, #tpu.memory_space<vmem>> -> memref<1x128x128xf32, #tpu.memory_space<vmem>>
    %dma_wait3A_564 = tpu.memref_squeeze %dma_wait3A_563 : memref<1x128x128xf32, #tpu.memory_space<vmem>> -> memref<128x128xf32, #tpu.memory_space<vmem>>
    tpu.wait_dma2 semaphore(%arg14 : memref<!tpu.dma_semaphore, #tpu.memory_space<semaphore_mem>>) src(%dma_wait3A_564 : memref<128x128xf32, #tpu.memory_space<vmem>>) dst(%dma_wait3A_560 : memref<128x128xf32, #tpu.memory_space<hbm>>)
    %dma_wait3A_565 = arith.constant 2 : i32
    %dma_wait3A_566 = arith.constant 0 : i32
    %dma_wait3A_567 = arith.constant 0 : i32
    %dma_wait3A_568 = tpu.memref_slice %arg6[%dma_wait3A_565, %dma_wait3A_566, %dma_wait3A_567] : memref<5x128x128xf32, #tpu.memory_space<vmem>> -> memref<1x128x128xf32, #tpu.memory_space<vmem>>
    %dma_wait3A_569 = tpu.memref_squeeze %dma_wait3A_568 : memref<1x128x128xf32, #tpu.memory_space<vmem>> -> memref<128x128xf32, #tpu.memory_space<vmem>>
    %dma_wait3A_570 = arith.constant 0 : i32
    %dma_wait3A_571 = arith.constant 0 : i32
    %dma_wait3A_572 = tpu.memref_slice %arg4[%mul3A_2, %dma_wait3A_570, %dma_wait3A_571] : memref<6400x128x128xf32, #tpu.memory_space<hbm>> -> memref<1x128x128xf32, #tpu.memory_space<hbm>>
    %dma_wait3A_573 = tpu.memref_squeeze %dma_wait3A_572 : memref<1x128x128xf32, #tpu.memory_space<hbm>> -> memref<128x128xf32, #tpu.memory_space<hbm>>
    %dma_wait3A_574 = arith.constant 0 : i32
    %dma_wait3A_575 = arith.constant 0 : i32
    %dma_wait3A_576 = tpu.memref_slice %arg4[%mul3A_2, %dma_wait3A_574, %dma_wait3A_575] : memref<6400x128x128xf32, #tpu.memory_space<hbm>> -> memref<1x128x128xf32, #tpu.memory_space<hbm>>
    %dma_wait3A_577 = tpu.memref_squeeze %dma_wait3A_576 : memref<1x128x128xf32, #tpu.memory_space<hbm>> -> memref<128x128xf32, #tpu.memory_space<hbm>>
    %dma_wait3A_578 = arith.constant 0 : i32
    %dma_wait3A_579 = arith.constant 0 : i32
    %dma_wait3A_580 = tpu.memref_slice %arg6[%dma_wait3A_565, %dma_wait3A_578, %dma_wait3A_579] : memref<5x128x128xf32, #tpu.memory_space<vmem>> -> memref<1x128x128xf32, #tpu.memory_space<vmem>>
    %dma_wait3A_581 = tpu.memref_squeeze %dma_wait3A_580 : memref<1x128x128xf32, #tpu.memory_space<vmem>> -> memref<128x128xf32, #tpu.memory_space<vmem>>
    tpu.wait_dma2 semaphore(%arg15 : memref<!tpu.dma_semaphore, #tpu.memory_space<semaphore_mem>>) src(%dma_wait3A_581 : memref<128x128xf32, #tpu.memory_space<vmem>>) dst(%dma_wait3A_577 : memref<128x128xf32, #tpu.memory_space<hbm>>)
    %dma_wait3A_582 = arith.constant 3 : i32
    %dma_wait3A_583 = arith.constant 0 : i32
    %dma_wait3A_584 = arith.constant 0 : i32
    %dma_wait3A_585 = tpu.memref_slice %arg6[%dma_wait3A_582, %dma_wait3A_583, %dma_wait3A_584] : memref<5x128x128xf32, #tpu.memory_space<vmem>> -> memref<1x128x128xf32, #tpu.memory_space<vmem>>
    %dma_wait3A_586 = tpu.memref_squeeze %dma_wait3A_585 : memref<1x128x128xf32, #tpu.memory_space<vmem>> -> memref<128x128xf32, #tpu.memory_space<vmem>>
    %dma_wait3A_587 = arith.constant 0 : i32
    %dma_wait3A_588 = arith.constant 0 : i32
    %dma_wait3A_589 = tpu.memref_slice %arg4[%mul3A_2, %dma_wait3A_587, %dma_wait3A_588] : memref<6400x128x128xf32, #tpu.memory_space<hbm>> -> memref<1x128x128xf32, #tpu.memory_space<hbm>>
    %dma_wait3A_590 = tpu.memref_squeeze %dma_wait3A_589 : memref<1x128x128xf32, #tpu.memory_space<hbm>> -> memref<128x128xf32, #tpu.memory_space<hbm>>
    %dma_wait3A_591 = arith.constant 0 : i32
    %dma_wait3A_592 = arith.constant 0 : i32
    %dma_wait3A_593 = tpu.memref_slice %arg4[%mul3A_2, %dma_wait3A_591, %dma_wait3A_592] : memref<6400x128x128xf32, #tpu.memory_space<hbm>> -> memref<1x128x128xf32, #tpu.memory_space<hbm>>
    %dma_wait3A_594 = tpu.memref_squeeze %dma_wait3A_593 : memref<1x128x128xf32, #tpu.memory_space<hbm>> -> memref<128x128xf32, #tpu.memory_space<hbm>>
    %dma_wait3A_595 = arith.constant 0 : i32
    %dma_wait3A_596 = arith.constant 0 : i32
    %dma_wait3A_597 = tpu.memref_slice %arg6[%dma_wait3A_582, %dma_wait3A_595, %dma_wait3A_596] : memref<5x128x128xf32, #tpu.memory_space<vmem>> -> memref<1x128x128xf32, #tpu.memory_space<vmem>>
    %dma_wait3A_598 = tpu.memref_squeeze %dma_wait3A_597 : memref<1x128x128xf32, #tpu.memory_space<vmem>> -> memref<128x128xf32, #tpu.memory_space<vmem>>
    tpu.wait_dma2 semaphore(%arg16 : memref<!tpu.dma_semaphore, #tpu.memory_space<semaphore_mem>>) src(%dma_wait3A_598 : memref<128x128xf32, #tpu.memory_space<vmem>>) dst(%dma_wait3A_594 : memref<128x128xf32, #tpu.memory_space<hbm>>)
    %dma_wait3A_599 = arith.constant 4 : i32
    %dma_wait3A_600 = arith.constant 0 : i32
    %dma_wait3A_601 = arith.constant 0 : i32
    %dma_wait3A_602 = tpu.memref_slice %arg6[%dma_wait3A_599, %dma_wait3A_600, %dma_wait3A_601] : memref<5x128x128xf32, #tpu.memory_space<vmem>> -> memref<1x128x128xf32, #tpu.memory_space<vmem>>
    %dma_wait3A_603 = tpu.memref_squeeze %dma_wait3A_602 : memref<1x128x128xf32, #tpu.memory_space<vmem>> -> memref<128x128xf32, #tpu.memory_space<vmem>>
    %dma_wait3A_604 = arith.constant 0 : i32
    %dma_wait3A_605 = arith.constant 0 : i32
    %dma_wait3A_606 = tpu.memref_slice %arg4[%mul3A_2, %dma_wait3A_604, %dma_wait3A_605] : memref<6400x128x128xf32, #tpu.memory_space<hbm>> -> memref<1x128x128xf32, #tpu.memory_space<hbm>>
    %dma_wait3A_607 = tpu.memref_squeeze %dma_wait3A_606 : memref<1x128x128xf32, #tpu.memory_space<hbm>> -> memref<128x128xf32, #tpu.memory_space<hbm>>
    %dma_wait3A_608 = arith.constant 0 : i32
    %dma_wait3A_609 = arith.constant 0 : i32
    %dma_wait3A_610 = tpu.memref_slice %arg4[%mul3A_2, %dma_wait3A_608, %dma_wait3A_609] : memref<6400x128x128xf32, #tpu.memory_space<hbm>> -> memref<1x128x128xf32, #tpu.memory_space<hbm>>
    %dma_wait3A_611 = tpu.memref_squeeze %dma_wait3A_610 : memref<1x128x128xf32, #tpu.memory_space<hbm>> -> memref<128x128xf32, #tpu.memory_space<hbm>>
    %dma_wait3A_612 = arith.constant 0 : i32
    %dma_wait3A_613 = arith.constant 0 : i32
    %dma_wait3A_614 = tpu.memref_slice %arg6[%dma_wait3A_599, %dma_wait3A_612, %dma_wait3A_613] : memref<5x128x128xf32, #tpu.memory_space<vmem>> -> memref<1x128x128xf32, #tpu.memory_space<vmem>>
    %dma_wait3A_615 = tpu.memref_squeeze %dma_wait3A_614 : memref<1x128x128xf32, #tpu.memory_space<vmem>> -> memref<128x128xf32, #tpu.memory_space<vmem>>
    tpu.wait_dma2 semaphore(%arg17 : memref<!tpu.dma_semaphore, #tpu.memory_space<semaphore_mem>>) src(%dma_wait3A_615 : memref<128x128xf32, #tpu.memory_space<vmem>>) dst(%dma_wait3A_611 : memref<128x128xf32, #tpu.memory_space<hbm>>)
    return
  }
}

</mosaic_0001>

<sc_bundles>
// kernel: kernel.3.cloned.1.call-start
scs
__scs_entry_jumppad:
0x0: {  	(pc) =	sbr.rel $0x88, $3  }
0x1: {  	(tag) =	ssettag $0x0;
	lr =	simm.s32 $0x1  }
0x2: {  	[smem:$0x3F9F] =	sst lr;
	_ =	strace $0xD0000000  }
0x3: {  	_ = 	snop  }
0x4: {  	_ = 	snop  }
0x5: {  	_ = 	snop  }
0x6: {  	_ = 	snop  }
0x7: {  	_ = 	snop  }
__scs_overlays_trampoline_lowered:
0x8: {  	[smem:$0x3FAE] =	sst s0  }
0x9: {  	[smem:$0x3FAF] =	sst s1  }
0xa: {  	[smem:$0x3FB0] =	sst s2  }
0xb: {  	[smem:$0x3FB1] =	sst s3  }
0xc: {  	[smem:$0x3FB2] =	sst s4  }
0xd: {  	[smem:$0x3FB3] =	sst s5  }
0xe: {  	[smem:$0x3FB4] =	sst s6  }
0xf: {  	[smem:$0x3FB5] =	sst s7  }
0x10: {  	[smem:$0x3FB6] =	sst s8  }
0x11: {  	[smem:$0x3FB7] =	sst s9;
	s0 =	simm.s32 @!p0 $0x0  }
0x12: {  	s1 =	sld [smem:$0x3F9D];
	s0 =	simm.s32 @p0 $0x1  }
0x13: {  	[smem:$0x3FB8] =	sst s0;
	s0 =	simm.s32 @!p1 $0x0  }
0x14: {  	s2 =	sld [smem:$0x3F9C];
	s0 =	simm.s32 @p1 $0x1  }
0x15: {  	[smem:$0x3FB9] =	sst s0;
	s0 =	simm.s32 @!p2 $0x0  }
0x16: {  	s3 =	sld [smem:$0x3FDB];
	s0 =	simm.s32 @p2 $0x1  }
0x17: {  	s4 =	simm.s32 $0x1BF5;
	[smem:$0x3FBB] =	sst s0  }
0x18: {  	s0 =	sld [smem:$0x3F9E];
	_ =	swait.ge [sflag:s4], $0x0  }
0x19: {  	s7 =	sld [smem:$0x3F9F]  }
0x1a: {  	s8 =	sadd.s32 $0xFFFFE003, lr  }
0x1b: {  	s9 =	sadd.s32 $0xFFFFFEF7, lr;
	s5 =	simm.s32 $0xFFFFFFFF;
	p2 =	slt.u32 s8, $0xFFFFF086  }
0x1c: {  	p1 =	slt.u32 s9, $0xF7A;
	s5 =	simm.s32 @!p2 $0x0  }
0x1d: {  	s5 =	simm.s32 @p1 $0x1;
	p0 =	seq.s32 s7, s2  }
0x1e: {  	s7 =	smul.u32 @!p0 $0xF7A, s2;
	p2 =	seq.s32 @!p0 s5, $0x0  }
0x1f: {  	s9 =	smul.u32 $0xF7A, s1;
	s8 =	simm.s32 @!p0 $0x1BF5;
	p2 =	por !p2, p0  }
0x20: {  	[sflag:s8] =	ssyncset.s32 @!p0 $0xFFFFF086;
	s6 =	sadd.s32 @!p0 s3, s7;
	s7 =	simm.s32 @!p0 $0x108  }
0x21: {  	s3 =	sadd.s32 s3, s9;
	s6 =	sadd.s32 @!p0 $0x88, s6;
	s7 =	simm.s32 @p2 $0x1082  }
0x22: {  	[simem:s7], [sflag:s8] =	dma.local @!p0 [hbm:s6], $0xF7A  }
0x23: {  	s9 =	sor.u32 $0xD0000000, s2;
	s6 =	simm.s32 $0x108;
	_ =	swait.ge @!p0 [sflag:s8], $0x0  }
0x24: {  	s3 =	sadd.s32 $0x88, s3;
	s6 =	simm.s32 @!p1 $0x1082;
	[sflag:s4] =	ssyncset.s32 $0xFFFFF086  }
0x25: {  	[simem:s6], [sflag:s4] =	dma.local [hbm:s3], $0xF7A  }
0x26: {  	[smem:$0x3F9F] =	sst s1;
	(tag) =	ssettag s2;
	_ =	strace s9  }
0x27: {  	s1 =	sld [smem:$0x3FAF]  }
0x28: {  	s2 =	sld [smem:$0x3FB0]  }
0x29: {  	s4 =	sld [smem:$0x3FB2]  }
0x2a: {  	p0 =	seq.s32 s5, $0x0;
	s5 =	sld [smem:$0x3FB3]  }
0x2b: {  	s6 =	sld [smem:$0x3FB4]  }
0x2c: {  	s7 =	sld [smem:$0x3FB5]  }
0x2d: {  	s3 =	simm.s32 $0x108;
	s8 =	sld [smem:$0x3FB6]  }
0x2e: {  	s3 =	simm.s32 @!p0 $0x1082;
	s9 =	sld [smem:$0x3FB7]  }
0x2f: {  	lr =	sadd.s32 s0, s3;
	s0 =	sld [smem:$0x3FAE]  }
0x30: {  	s3 =	sld [smem:$0x3FB1]  }
0x31: {  	[smem:$0x3FBA] =	sst s10  }
0x32: {  	s10 =	sld [smem:$0x3FB8];
	_ =	sdelay $0x3  }
0x33: {  	p0 =	seq.s32 s10, $0x1;
	s10 =	sld [smem:$0x3FBA];
	_ =	sdelay $0x3  }
0x34: {  	[smem:$0x3FBA] =	sst s10  }
0x35: {  	s10 =	sld [smem:$0x3FB9];
	_ =	sdelay $0x3  }
0x36: {  	p1 =	seq.s32 s10, $0x1;
	s10 =	sld [smem:$0x3FBA];
	_ =	sdelay $0x3  }
0x37: {  	[smem:$0x3FBA] =	sst s10  }
0x38: {  	s10 =	sld [smem:$0x3FBB]  }
0x39: {  	_ = 	snop;
	(pc) =	sbr.ind lr, $3  }
0x3a: {  	_ = 	snop  }
0x3b: {  	_ = 	snop  }
0x3c: {  	p2 =	seq.s32 s10, $0x1;
	s10 =	sld [smem:$0x3FBA]  }
0x3d: {  	_ =	shalt  }
0x3e: {  	_ =	shalt  }
0x3f: {  	_ =	shalt  }
0x40: {  	_ =	shalt  }
0x41: {  	_ =	shalt  }
0x42: {  	_ =	shalt  }
0x43: {  	_ =	shalt  }
0x44: {  	_ =	shalt  }
0x45: {  	_ =	shalt  }
0x46: {  	_ =	shalt  }
0x47: {  	_ =	shalt  }
0x48: {  	_ =	shalt  }
0x49: {  	_ =	shalt  }
0x4a: {  	_ =	shalt  }
0x4b: {  	_ =	shalt  }
0x4c: {  	_ =	shalt  }
0x4d: {  	_ =	shalt  }
0x4e: {  	_ =	shalt  }
0x4f: {  	_ =	shalt  }
0x50: {  	_ =	shalt  }
0x51: {  	_ =	shalt  }
0x52: {  	_ =	shalt  }
0x53: {  	_ =	shalt  }
0x54: {  	_ =	shalt  }
0x55: {  	_ =	shalt  }
0x56: {  	_ =	shalt  }
0x57: {  	_ =	shalt  }
0x58: {  	_ =	shalt  }
0x59: {  	_ =	shalt  }
0x5a: {  	_ =	shalt  }
0x5b: {  	_ =	shalt  }
0x5c: {  	_ =	shalt  }
0x5d: {  	_ =	shalt  }
0x5e: {  	_ =	shalt  }
0x5f: {  	_ =	shalt  }
0x60: {  	_ =	shalt  }
0x61: {  	_ =	shalt  }
0x62: {  	_ =	shalt  }
0x63: {  	_ =	shalt  }
0x64: {  	_ =	shalt  }
0x65: {  	_ =	shalt  }
0x66: {  	_ =	shalt  }
0x67: {  	_ =	shalt  }
0x68: {  	_ =	shalt  }
0x69: {  	_ =	shalt  }
0x6a: {  	_ =	shalt  }
0x6b: {  	_ =	shalt  }
0x6c: {  	_ =	shalt  }
0x6d: {  	_ =	shalt  }
0x6e: {  	_ =	shalt  }
0x6f: {  	_ =	shalt  }
0x70: {  	_ =	shalt  }
0x71: {  	_ =	shalt  }
0x72: {  	_ =	shalt  }
0x73: {  	_ =	shalt  }
0x74: {  	_ =	shalt  }
0x75: {  	_ =	shalt  }
0x76: {  	_ =	shalt  }
0x77: {  	_ =	shalt  }
0x78: {  	_ =	shalt  }
0x79: {  	_ =	shalt  }
0x7a: {  	_ =	shalt  }
0x7b: {  	_ =	shalt  }
0x7c: {  	_ =	shalt  }
0x7d: {  	_ =	shalt  }
0x7e: {  	_ =	shalt  }
0x7f: {  	_ =	shalt  }
0x80: {  	_ =	shalt  }
0x81: {  	_ =	shalt  }
0x82: {  	_ =	shalt  }
0x83: {  	_ =	shalt  }
0x84: {  	_ =	shalt  }
0x85: {  	_ =	shalt  }
0x86: {  	_ =	shalt  }
0x87: {  	_ =	shalt  }
.Lfunc_end0:
.L_simem_size_0:
called_computation_lowered:
.L_overlay_start_0:
0x88: {  	s2 =	sld [smem:$0x3FD9]  }
0x89: {  	s3 =	sld [smem:$0x3FFE];
	_ =	sdelay $0x1  }
0x8a: {  	s1 =	srdreg.scid  }
0x8b: {  	s0 =	sand.u32 $0x1, s1  }
0x8c: {  	s17 =	sshll.u32 s0, $0xA;
	s2 =	sadd.s32 s3, s2  }
0x8d: {  	s2 =	sadd.s32 s2, s17  }
0x8e: {  	[smem:$0x3FC6] =	sst s2  }
0x8f: {  	_ = 	snop  }
0x90: {  	s2 =	sld [smem:$0x3FC8]  }
0x91: {  	s18 =	sld [smem:$0x3FD0];
	(tm) =	ssettm $0x1  }
0x92: {  	s4 =	sld [smem:$0x3FFB];
	_ =	sdelay $0x3  }
0x93: {  	_ =	strace s4  }
0x94: {  	s4 =	sld [smem:$0x3FFC];
	_ =	sdelay $0x3  }
0x95: {  	_ =	strace s4  }
0x96: {  	s4 =	sld [smem:$0x3FFD];
	_ =	sdelay $0x3  }
0x97: {  	_ =	strace s4  }
0x98: {  	_ =	strace $0x8FFFFFFF  }
0x99: {  	s19 =	sld [smem:$0x3FDB];
	_ =	sdelay $0x1  }
0x9a: {  	s5 =	simm.s32 $_scs_section_size  }
0x9b: {  	s6 =	simm.s32 $_size__tile_overlayer_lowered;
	s7 =	simm.s32 $_tile_overlayer_lowered  }
0x9c: {  	s22 =	simm.s32 $0x1BFF;
	s21 =	sshll.u32 s7, $0x1;
	s4 =	sadd.s32 s5, s19  }
0x9d: {  	s8 =	simm.s32 $0x0;
	s20 =	sshll.u32 s6, $0x1;
	s6 =	sadd.s32 s21, s4  }
0x9e: {  	[timem:s8], [sflag:s22] =	dma.local [hbm:s6], s20  }
0x9f: {  	_ =	swait.ge [sflag:s22], s20  }
0xa0: {  	s5 =	ssub.s32 $0x0, s20;
	[sflag:s22] =	ssyncset.done $0x0  }
0xa1: {  	[sflag:s22] =	ssyncadd.s32 s5;
	_ =	sdelay $0x1  }
0xa2: {  	s23 =	simm.s32 $0x1B8B  }
0xa3: {  	_ =	swait.ge [sflag:s23], $0x1  }
0xa4: {  	[sflag:s23] =	ssyncset.done $0x0  }
0xa5: {  	s25 =	simm.s32 $0x1B8E;
	s24 =	sld [smem:$0x3FFE];
	[sflag:s23] =	ssyncadd.s32 $0xFFFFFFFF  }
0xa6: {  	s26 =	simm.s32 $execute0_lowered;
	[smem:$0x3FD2] =	sst s25  }
0xa7: {  	s6 =	sshll.u32 s26, $0x1;
	_ =	strace $0x80000046;
	[dreg:$0x1] =	wrdreg $0xFFFFFFFF  }
0xa8: {  	s28 =	simm.s32 $_size_execute0_lowered;
	s4 =	sadd.s32 s4, s6;
	[dreg:$0x0] =	wrdreg $0x0  }
0xa9: {  	s6 =	sshll.u32 s28, $0x1;
	[dreg:$0x2] =	wrdreg s4  }
0xaa: {  	[dreg:$0x3] =	wrdreg s6  }
0xab: {  	[dreg:$0x4] =	wrdreg $0xC0  }
0xac: {  	_ =	task [dreg:s8], $0x5FFFF  }
0xad: {  	[dreg:$0x1] =	wrdreg $0xFFFFFFFF  }
0xae: {  	[dreg:$0x0] =	wrdreg $0x60  }
0xaf: {  	[dreg:$0x2] =	wrdreg s24  }
0xb0: {  	[dreg:$0x3] =	wrdreg s2  }
0xb1: {  	[dreg:$0x4] =	wrdreg s18  }
0xb2: {  	[dreg:$0x5] =	wrdreg $0x1A4000  }
0xb3: {  	[dreg:$0x6] =	wrdreg $0x9  }
0xb4: {  	_ =	task.clear_ibuf [dreg:s8], $0x7FFFF;
	_ =	strace $0x90000046  }
0xb5: {  	s29 =	simm.s32 $0x9;
	_ =	strace $0x80000048  }
0xb6: {  	_ =	swait.ge [sflag:s29], $0x1  }
0xb7: {  	[sflag:s29] =	ssyncadd.s32 $0xFFFFFFFF  }
0xb8: {  	_ =	strace $0x90000048  }
0xb9: {  	_ =	sfence  }
0xba: {  	s30 =	sld [smem:$0x0];
	_ =	sdelay $0x2  }
0xbb: {  	s31 =	sshll.u32 s1, $0xD;
	s1 =	sshrl.u32 s1, $0x2  }
0xbc: {  	s3 =	sand.u32 $0x4000, s31;
	s1 =	sadd.s32 s1, s30  }
0xbd: {  	s0 =	sor.u32 s3, s0;
	s1 =	sshll.u32 s1, $0x11  }
0xbe: {  	s0 =	sor.u32 s1, s0  }
0xbf: {  	s0 =	sadd.s32 $0x8F2B, s0  }
0xc0: {  	[sflag:s0] =	ssyncadd.remote.s32 $0x1  }
0xc1: {  	_ =	sfence.sel $0xFFFF  }
0xc2: {  	[dreg:$0x0] =	wrdreg $0xFFFFFFFF;
	(pc) =	sbr.abs _section_cstart, $3  }
0xc3: {  	[dreg:$0x1] =	wrdreg $0xFFFFFFFF  }
0xc4: {  	_ =	task.clear_ibuf [dreg:s8], $0x2FFFF;
	_ =	strace $0x9FFFFFFF  }
0xc5: {  	(tm) =	ssettm $0x7FFFFFFF  }
tec
execute0_lowered:
.L_overlay_start_1:
0x0: {  	(tag) =	ssettag $0x1  }
0x1: {  	s0 =	rddreg [dreg:$0x0]  }
0x2: {  	s1 =	srdreg.scid;
	s5 =	stileid.u32  }
0x3: {  	s2 =	rddreg [dreg:$0x2];
	s4 =	simm.s32 $0x0;
	s29 =	simm.s32 $0x12400  }
0x4: {  	s31 =	simm.s32 $0x16400;
	s28 =	simm.s32 $0x7;
	s30 =	simm.s32 $0x5  }
0x5: {  	s1 =	sand.u32 $0x1, s1;
	s3 =	sshll.u32 s5, $0x1;
	s11 =	smul.u32 $0x190, s5  }
0x6: {  	s6 =	sor.u32 s1, s3;
	s9 =	ssub.s32 $0x2, s1;
	s1 =	smul.u32 $0xC8, s1  }
0x7: {  	[smem:$0x7FF] =	sst s4;
	p0 =	sne.s32 s5, $0x0;
	s7 =	smul.u32 $0xC80, s6  }
0x8: {  	s5 =	simm.s32 $0x8;
	s3 =	rddreg [dreg:$0x3];
	s8 =	smul.u32 $0x64000, s6  }
0x9: {  	_ =	strace $0x80000047;
	s10 =	smul.u32 $0x320000, s6;
	s12 =	sshrl.u32 s9, $0x1  }
0xa: {  	s1 =	sadd.s32 s1, s11;
	s0 =	sadd.s32 s7, s0;
	s14 =	sadd.s32 s2, s8  }
0xb: {  	s15 =	sshrl.u32 s10, $0x3;
	s0 =	sadd.s32 $0x400, s0;
	[dreg:$0xb] =	wrdreg s14  }
0xc: {  	s10 =	sshll.u32 s1, $0xB;
	s6 =	sadd.s32 $0x800, s14;
	[dreg:$0xa] =	wrdreg s0  }
0xd: {  	s13 =	ssub.s32 s9, s12;
	s20 =	sor.u32 $0x2000, s10;
	[dreg:$0xc] =	wrdreg s6  }
0xe: {  	s9 =	simm.s32 $0x0;
	s22 =	sor.u32 $0x1000, s10;
	[dreg:$0x5] =	wrdreg s20  }
0xf: {  	s1 =	simm.s32 $0x3;
	s24 =	sadd.s32 $0x4000, s10;
	[dreg:$0x6] =	wrdreg s22  }
0x10: {  	s7 =	simm.s32 $0x9;
	s25 =	sadd.s32 $0x5000, s10;
	[dreg:$0x7] =	wrdreg s24  }
0x11: {  	s26 =	sor.u32 $0x3000, s10;
	s0 =	sadd.s32 s2, s15;
	[dreg:$0x8] =	wrdreg s25  }
0x12: {  	s8 =	simm.s32 $0xA;
	[dreg:$0x9] =	wrdreg s26;
	s16 =	sadd.s32 $0x60000, s0  }
0x13: {  	s20 =	simm.s32 $0x80;
	s17 =	sadd.s32 $0x60800, s0;
	[dreg:$0xd] =	wrdreg s16  }
0x14: {  	s22 =	simm.s32 $0xA400;
	s18 =	sadd.s32 $0x61000, s0;
	[dreg:$0xe] =	wrdreg s17  }
0x15: {  	s24 =	simm.s32 $0xE400;
	s19 =	sadd.s32 $0x61800, s0;
	[dreg:$0xf] =	wrdreg s18  }
0x16: {  	s25 =	simm.s32 $0x1;
	s21 =	sadd.s32 $0x62000, s0;
	[dreg:$0x10] =	wrdreg s19  }
0x17: {  	s26 =	simm.s32 $0x2;
	s23 =	sadd.s32 $0x62800, s0;
	[dreg:$0x11] =	wrdreg s21  }
0x18: {  	s15 =	sadd.s32 $0x63000, s0;
	[dreg:$0x12] =	wrdreg s23;
	s16 =	sadd.s32 $0x63800, s0  }
0x19: {  	s17 =	smax.u32 s13, $0x1;
	s18 =	sshrl.u32 @!p0 s3, $0x3;
	s19 =	simm.s32 $0xB  }
0x1a: {  	s21 =	simm.s32 $0x6400;
	s0 =	simm.s32 $0x4;
	s23 =	simm.s32 $0x6  }
.LBB2_1:
0x1b: {  	s6 =	rddreg [dreg:$0xa]  }
0x1c: {  	[tilespmem:s4], [sflag:$0xB] =	stream.linear.gather [hbm4b:s6+s4], $0x6400, $0x38;
	[tilespmem:$0x1C340] =	vst v63  }
0x1d: {  	s11 =	simm.s32 @!p0 $0x1C0C;
	s6 =	rddreg [dreg:$0x1]  }
0x1e: {  	[spmem:s18], [sflag:s11] =	dma.local @!p0 [hbm:s6], $0x3E80  }
0x1f: {  	s11 =	simm.s32 @!p0 $0xC  }
0x20: {  	_ =	swait.ge @!p0 [sflag:s11], $0x3E80  }
0x21: {  	[sflag:s11] =	ssyncset.done @!p0 $0x0  }
0x22: {  	[sflag:s11] =	ssyncadd.s32 @!p0 $0xFFFFC180  }
0x23: {  	_ =	swait.ge [sflag:s19], $0x6400  }
0x24: {  	[sflag:s19] =	ssyncset.done $0x0  }
0x25: {  	[sflag:s19] =	ssyncadd.s32 $0xFFFF9C00  }
0x26: {  	[bflag:$0x0] =	sbarrier.arrive $0xFFFF  }
0x27: {  	[tilespmem:s21], [sflag:$0x1] =	stream.indirect.gather [spmem:s3], $0x80, s4, s20, $0xb8;
	[tilespmem:$0x1C340] =	vst v63  }
0x28: {  	_ = 	snop  }
0x29: {  	[tilespmem:s22], [sflag:$0x2] =	stream.indirect.gather [spmem:s3], $0x80, s20, s20, $0xb8;
	[tilespmem:$0x1C340] =	vst v63  }
0x2a: {  	s12 =	simm.s32 $0x100  }
0x2b: {  	[tilespmem:s24], [sflag:$0x3] =	stream.indirect.gather [spmem:s3], $0x80, s12, s20, $0xb8;
	[tilespmem:$0x1C340] =	vst v63  }
0x2c: {  	_ =	swait.ge [sflag:s25], $0x4000  }
0x2d: {  	[sflag:s25] =	ssyncset.done $0x0  }
0x2e: {  	[sflag:s25] =	ssyncadd.s32 $0xFFFFC000  }
0x2f: {  	_ =	swait.ge [sflag:s26], $0x4000  }
0x30: {  	[sflag:s26] =	ssyncset.done $0x0  }
0x31: {  	s13 =	rddreg [dreg:$0xb];
	[sflag:s26] =	ssyncadd.s32 $0xFFFFC000  }
0x32: {  	[hbm4b:s13+s4] =	stream.linear.scatter [tilespmem:s21], [sflag:$0x6], $0x4000, $0x38;
	[tilespmem:$0x1C340] =	vst v63  }
0x33: {  	s14 =	rddreg [dreg:$0xc]  }
0x34: {  	[hbm4b:s14+s4] =	stream.linear.scatter [tilespmem:s22], [sflag:$0x7], $0x4000, $0x38;
	[tilespmem:$0x1C340] =	vst v63  }
0x35: {  	s11 =	simm.s32 $0x180  }
0x36: {  	[tilespmem:s29], [sflag:$0x4] =	stream.indirect.gather [spmem:s3], $0x80, s11, s20, $0xb8;
	[tilespmem:$0x1C340] =	vst v63  }
0x37: {  	s12 =	simm.s32 $0x200  }
0x38: {  	[tilespmem:s31], [sflag:$0x5] =	stream.indirect.gather [spmem:s3], $0x80, s12, s20, $0xb8;
	[tilespmem:$0x1C340] =	vst v63  }
0x39: {  	_ =	swait.ge [sflag:s1], $0x4000  }
0x3a: {  	[sflag:s1] =	ssyncset.done $0x0  }
0x3b: {  	[sflag:s1] =	ssyncadd.s32 $0xFFFFC000  }
0x3c: {  	_ =	swait.ge [sflag:s0], $0x4000  }
0x3d: {  	s13 =	rddreg [dreg:$0x6];
	[sflag:s0] =	ssyncset.done $0x0  }
0x3e: {  	s12 =	sadd.s32 s2, s10;
	[sflag:s0] =	ssyncadd.s32 $0xFFFFC000;
	s11 =	sadd.s32 s2, s13  }
0x3f: {  	[hbm4b:s11+s4] =	stream.linear.scatter [tilespmem:s24], [sflag:$0x8], $0x4000, $0x38;
	[tilespmem:$0x1C340] =	vst v63  }
0x40: {  	s14 =	sadd.s32 $0x1800, s12  }
0x41: {  	[hbm4b:s14+s4] =	stream.linear.scatter [tilespmem:s29], [sflag:$0x9], $0x4000, $0x38;
	[tilespmem:$0x1C340] =	vst v63  }
0x42: {  	_ =	swait.ge [sflag:s23], $0x4000  }
0x43: {  	[sflag:s23] =	ssyncset.done $0x0  }
0x44: {  	[sflag:s23] =	ssyncadd.s32 $0xFFFFC000  }
0x45: {  	_ =	swait.ge [sflag:s28], $0x4000  }
0x46: {  	[sflag:s28] =	ssyncset.done $0x0  }
0x47: {  	s6 =	simm.s32 $0x280;
	[sflag:s28] =	ssyncadd.s32 $0xFFFFC000  }
0x48: {  	[tilespmem:s21], [sflag:$0x1] =	stream.indirect.gather [spmem:s3], $0x80, s6, s20, $0xb8;
	[tilespmem:$0x1C340] =	vst v63  }
0x49: {  	s13 =	simm.s32 $0x300  }
0x4a: {  	[tilespmem:s22], [sflag:$0x2] =	stream.indirect.gather [spmem:s3], $0x80, s13, s20, $0xb8;
	[tilespmem:$0x1C340] =	vst v63  }
0x4b: {  	_ =	swait.ge [sflag:s30], $0x4000  }
0x4c: {  	[sflag:s30] =	ssyncset.done $0x0  }
0x4d: {  	[sflag:s30] =	ssyncadd.s32 $0xFFFFC000  }
0x4e: {  	_ =	swait.ge [sflag:s25], $0x4000  }
0x4f: {  	s14 =	rddreg [dreg:$0x5];
	[sflag:s25] =	ssyncset.done $0x0  }
0x50: {  	[sflag:s25] =	ssyncadd.s32 $0xFFFFC000;
	s11 =	sadd.s32 s2, s14  }
0x51: {  	[hbm4b:s11+s4] =	stream.linear.scatter [tilespmem:s31], [sflag:$0xA], $0x4000, $0x38;
	[tilespmem:$0x1C340] =	vst v63  }
0x52: {  	s6 =	sadd.s32 $0x2800, s12  }
0x53: {  	[hbm4b:s6+s4] =	stream.linear.scatter [tilespmem:s21], [sflag:$0x6], $0x4000, $0x38;
	[tilespmem:$0x1C340] =	vst v63  }
0x54: {  	_ =	swait.ge [sflag:s5], $0x4000  }
0x55: {  	[sflag:s5] =	ssyncset.done $0x0  }
0x56: {  	[sflag:s5] =	ssyncadd.s32 $0xFFFFC000  }
0x57: {  	_ =	swait.ge [sflag:s7], $0x4000  }
0x58: {  	[sflag:s7] =	ssyncset.done $0x0  }
0x59: {  	s13 =	simm.s32 $0x380;
	[sflag:s7] =	ssyncadd.s32 $0xFFFFC000  }
0x5a: {  	[tilespmem:s24], [sflag:$0x3] =	stream.indirect.gather [spmem:s3], $0x80, s13, s20, $0xb8;
	[tilespmem:$0x1C340] =	vst v63  }
0x5b: {  	s14 =	simm.s32 $0x400  }
0x5c: {  	[tilespmem:s29], [sflag:$0x4] =	stream.indirect.gather [spmem:s3], $0x80, s14, s20, $0xb8;
	[tilespmem:$0x1C340] =	vst v63  }
0x5d: {  	_ =	swait.ge [sflag:s26], $0x4000  }
0x5e: {  	[sflag:s26] =	ssyncset.done $0x0  }
0x5f: {  	[sflag:s26] =	ssyncadd.s32 $0xFFFFC000  }
0x60: {  	_ =	swait.ge [sflag:s1], $0x4000  }
0x61: {  	s6 =	rddreg [dreg:$0x9];
	[sflag:s1] =	ssyncset.done $0x0  }
0x62: {  	[sflag:s1] =	ssyncadd.s32 $0xFFFFC000;
	s11 =	sadd.s32 s2, s6  }
0x63: {  	[hbm4b:s11+s4] =	stream.linear.scatter [tilespmem:s22], [sflag:$0x7], $0x4000, $0x38;
	[tilespmem:$0x1C340] =	vst v63  }
0x64: {  	s13 =	sadd.s32 $0x3800, s12  }
0x65: {  	[hbm4b:s13+s4] =	stream.linear.scatter [tilespmem:s24], [sflag:$0x8], $0x4000, $0x38;
	[tilespmem:$0x1C340] =	vst v63  }
0x66: {  	_ =	swait.ge [sflag:s8], $0x4000  }
0x67: {  	[sflag:s8] =	ssyncset.done $0x0  }
0x68: {  	[sflag:s8] =	ssyncadd.s32 $0xFFFFC000  }
0x69: {  	_ =	swait.ge [sflag:s23], $0x4000  }
0x6a: {  	[sflag:s23] =	ssyncset.done $0x0  }
0x6b: {  	s14 =	simm.s32 $0x480;
	[sflag:s23] =	ssyncadd.s32 $0xFFFFC000  }
0x6c: {  	[tilespmem:s31], [sflag:$0x5] =	stream.indirect.gather [spmem:s3], $0x80, s14, s20, $0xb8;
	[tilespmem:$0x1C340] =	vst v63  }
0x6d: {  	s6 =	simm.s32 $0x500  }
0x6e: {  	[tilespmem:s21], [sflag:$0x1] =	stream.indirect.gather [spmem:s3], $0x80, s6, s20, $0xb8;
	[tilespmem:$0x1C340] =	vst v63  }
0x6f: {  	_ =	swait.ge [sflag:s0], $0x4000  }
0x70: {  	[sflag:s0] =	ssyncset.done $0x0  }
0x71: {  	[sflag:s0] =	ssyncadd.s32 $0xFFFFC000  }
0x72: {  	_ =	swait.ge [sflag:s30], $0x4000  }
0x73: {  	s12 =	rddreg [dreg:$0x7];
	[sflag:s30] =	ssyncset.done $0x0  }
0x74: {  	[sflag:s30] =	ssyncadd.s32 $0xFFFFC000;
	s11 =	sadd.s32 s2, s12  }
0x75: {  	[hbm4b:s11+s4] =	stream.linear.scatter [tilespmem:s29], [sflag:$0x9], $0x4000, $0x38;
	[tilespmem:$0x1C340] =	vst v63  }
0x76: {  	s13 =	sadd.s32 $0x800, s11  }
0x77: {  	[hbm4b:s13+s4] =	stream.linear.scatter [tilespmem:s31], [sflag:$0xA], $0x4000, $0x38;
	[tilespmem:$0x1C340] =	vst v63  }
0x78: {  	_ =	swait.ge [sflag:s28], $0x4000  }
0x79: {  	[sflag:s28] =	ssyncset.done $0x0  }
0x7a: {  	[sflag:s28] =	ssyncadd.s32 $0xFFFFC000  }
0x7b: {  	_ =	swait.ge [sflag:s5], $0x4000  }
0x7c: {  	[sflag:s5] =	ssyncset.done $0x0  }
0x7d: {  	s14 =	simm.s32 $0x580;
	[sflag:s5] =	ssyncadd.s32 $0xFFFFC000  }
0x7e: {  	[tilespmem:s22], [sflag:$0x2] =	stream.indirect.gather [spmem:s3], $0x80, s14, s20, $0xb8;
	[tilespmem:$0x1C340] =	vst v63  }
0x7f: {  	s6 =	simm.s32 $0x600  }
0x80: {  	[tilespmem:s24], [sflag:$0x3] =	stream.indirect.gather [spmem:s3], $0x80, s6, s20, $0xb8;
	[tilespmem:$0x1C340] =	vst v63  }
0x81: {  	_ =	swait.ge [sflag:s25], $0x4000  }
0x82: {  	[sflag:s25] =	ssyncset.done $0x0  }
0x83: {  	[sflag:s25] =	ssyncadd.s32 $0xFFFFC000  }
0x84: {  	_ =	swait.ge [sflag:s26], $0x4000  }
0x85: {  	s13 =	rddreg [dreg:$0x8];
	[sflag:s26] =	ssyncset.done $0x0  }
0x86: {  	[sflag:s26] =	ssyncadd.s32 $0xFFFFC000;
	s12 =	sadd.s32 s2, s13  }
0x87: {  	[hbm4b:s12+s4] =	stream.linear.scatter [tilespmem:s21], [sflag:$0x6], $0x4000, $0x38;
	[tilespmem:$0x1C340] =	vst v63  }
0x88: {  	s11 =	sadd.s32 $0x1800, s11  }
0x89: {  	[hbm4b:s11+s4] =	stream.linear.scatter [tilespmem:s22], [sflag:$0x7], $0x4000, $0x38;
	[tilespmem:$0x1C340] =	vst v63  }
0x8a: {  	_ =	swait.ge [sflag:s7], $0x4000  }
0x8b: {  	[sflag:s7] =	ssyncset.done $0x0  }
0x8c: {  	[sflag:s7] =	ssyncadd.s32 $0xFFFFC000  }
0x8d: {  	_ =	swait.ge [sflag:s8], $0x4000  }
0x8e: {  	s14 =	simm.s32 $0x680;
	s13 =	simm.s32 $0x700;
	[sflag:s8] =	ssyncset.done $0x0  }
0x8f: {  	s12 =	sadd.s32 $0x5000, s2;
	s11 =	simm.s32 $0x1400;
	[sflag:s8] =	ssyncadd.s32 $0xFFFFC000  }
0x90: {  	[tilespmem:s29], [sflag:$0x4] =	stream.indirect.gather [spmem:s3], $0x80, s14, s20, $0xb8;
	[tilespmem:$0x1C340] =	vst v63  }
.LBB2_2:
0x91: {  	[tilespmem:s31], [sflag:$0x5] =	stream.indirect.gather [spmem:s3], $0x80, s13, s20, $0xb8;
	[tilespmem:$0x1C340] =	vst v63  }
0x92: {  	_ =	swait.ge [sflag:s1], $0x4000  }
0x93: {  	[sflag:s1] =	ssyncset.done $0x0  }
0x94: {  	[sflag:s1] =	ssyncadd.s32 $0xFFFFC000  }
0x95: {  	_ =	swait.ge [sflag:s0], $0x4000  }
0x96: {  	s14 =	rddreg [dreg:$0x6];
	[sflag:s0] =	ssyncset.done $0x0  }
0x97: {  	[sflag:s0] =	ssyncadd.s32 $0xFFFFC000;
	s6 =	sadd.s32 s12, s14;
	s14 =	sadd.s32 s12, s10  }
0x98: {  	[hbm4b:s6+s4] =	stream.linear.scatter [tilespmem:s24], [sflag:$0x8], $0x4000, $0x38;
	[tilespmem:$0x1C340] =	vst v63  }
0x99: {  	s6 =	sadd.s32 $0x1800, s14  }
0x9a: {  	[hbm4b:s6+s4] =	stream.linear.scatter [tilespmem:s29], [sflag:$0x9], $0x4000, $0x38;
	[tilespmem:$0x1C340] =	vst v63  }
0x9b: {  	_ =	swait.ge [sflag:s23], $0x4000  }
0x9c: {  	[sflag:s23] =	ssyncset.done $0x0  }
0x9d: {  	[sflag:s23] =	ssyncadd.s32 $0xFFFFC000  }
0x9e: {  	s13 =	smov.u32 s11;
	_ =	swait.ge [sflag:s28], $0x4000  }
0x9f: {  	s13 =	sshra.s32 s13, $0x2;
	[sflag:s28] =	ssyncset.done $0x0  }
0xa0: {  	s6 =	sadd.s32 $0x280, s13;
	[sflag:s28] =	ssyncadd.s32 $0xFFFFC000  }
0xa1: {  	[tilespmem:s21], [sflag:$0x1] =	stream.indirect.gather [spmem:s3], $0x80, s6, s20, $0xb8;
	[tilespmem:$0x1C340] =	vst v63  }
0xa2: {  	s6 =	sadd.s32 $0x300, s13  }
0xa3: {  	[tilespmem:s22], [sflag:$0x2] =	stream.indirect.gather [spmem:s3], $0x80, s6, s20, $0xb8;
	[tilespmem:$0x1C340] =	vst v63  }
0xa4: {  	_ =	swait.ge [sflag:s30], $0x4000  }
0xa5: {  	[sflag:s30] =	ssyncset.done $0x0  }
0xa6: {  	[sflag:s30] =	ssyncadd.s32 $0xFFFFC000  }
0xa7: {  	_ =	swait.ge [sflag:s25], $0x4000  }
0xa8: {  	s6 =	rddreg [dreg:$0x5];
	[sflag:s25] =	ssyncset.done $0x0  }
0xa9: {  	[sflag:s25] =	ssyncadd.s32 $0xFFFFC000;
	s6 =	sadd.s32 s12, s6  }
0xaa: {  	[hbm4b:s6+s4] =	stream.linear.scatter [tilespmem:s31], [sflag:$0xA], $0x4000, $0x38;
	[tilespmem:$0x1C340] =	vst v63  }
0xab: {  	s6 =	sadd.s32 $0x2800, s14  }
0xac: {  	[hbm4b:s6+s4] =	stream.linear.scatter [tilespmem:s21], [sflag:$0x6], $0x4000, $0x38;
	[tilespmem:$0x1C340] =	vst v63  }
0xad: {  	_ =	swait.ge [sflag:s5], $0x4000  }
0xae: {  	[sflag:s5] =	ssyncset.done $0x0  }
0xaf: {  	[sflag:s5] =	ssyncadd.s32 $0xFFFFC000  }
0xb0: {  	_ =	swait.ge [sflag:s7], $0x4000  }
0xb1: {  	[sflag:s7] =	ssyncset.done $0x0  }
0xb2: {  	s6 =	sadd.s32 $0x380, s13;
	[sflag:s7] =	ssyncadd.s32 $0xFFFFC000  }
0xb3: {  	[tilespmem:s24], [sflag:$0x3] =	stream.indirect.gather [spmem:s3], $0x80, s6, s20, $0xb8;
	[tilespmem:$0x1C340] =	vst v63  }
0xb4: {  	s6 =	sadd.s32 $0x400, s13  }
0xb5: {  	[tilespmem:s29], [sflag:$0x4] =	stream.indirect.gather [spmem:s3], $0x80, s6, s20, $0xb8;
	[tilespmem:$0x1C340] =	vst v63  }
0xb6: {  	_ =	swait.ge [sflag:s26], $0x4000  }
0xb7: {  	[sflag:s26] =	ssyncset.done $0x0  }
0xb8: {  	[sflag:s26] =	ssyncadd.s32 $0xFFFFC000  }
0xb9: {  	_ =	swait.ge [sflag:s1], $0x4000  }
0xba: {  	s6 =	rddreg [dreg:$0x9];
	[sflag:s1] =	ssyncset.done $0x0  }
0xbb: {  	[sflag:s1] =	ssyncadd.s32 $0xFFFFC000;
	s6 =	sadd.s32 s12, s6  }
0xbc: {  	[hbm4b:s6+s4] =	stream.linear.scatter [tilespmem:s22], [sflag:$0x7], $0x4000, $0x38;
	[tilespmem:$0x1C340] =	vst v63  }
0xbd: {  	s14 =	sadd.s32 $0x3800, s14  }
0xbe: {  	[hbm4b:s14+s4] =	stream.linear.scatter [tilespmem:s24], [sflag:$0x8], $0x4000, $0x38;
	[tilespmem:$0x1C340] =	vst v63  }
0xbf: {  	_ =	swait.ge [sflag:s8], $0x4000  }
0xc0: {  	[sflag:s8] =	ssyncset.done $0x0  }
0xc1: {  	[sflag:s8] =	ssyncadd.s32 $0xFFFFC000  }
0xc2: {  	_ =	swait.ge [sflag:s23], $0x4000  }
0xc3: {  	[sflag:s23] =	ssyncset.done $0x0  }
0xc4: {  	s14 =	sadd.s32 $0x480, s13;
	[sflag:s23] =	ssyncadd.s32 $0xFFFFC000  }
0xc5: {  	[tilespmem:s31], [sflag:$0x5] =	stream.indirect.gather [spmem:s3], $0x80, s14, s20, $0xb8;
	[tilespmem:$0x1C340] =	vst v63  }
0xc6: {  	s14 =	sadd.s32 $0x500, s13  }
0xc7: {  	[tilespmem:s21], [sflag:$0x1] =	stream.indirect.gather [spmem:s3], $0x80, s14, s20, $0xb8;
	[tilespmem:$0x1C340] =	vst v63  }
0xc8: {  	_ =	swait.ge [sflag:s0], $0x4000  }
0xc9: {  	[sflag:s0] =	ssyncset.done $0x0  }
0xca: {  	[sflag:s0] =	ssyncadd.s32 $0xFFFFC000  }
0xcb: {  	_ =	swait.ge [sflag:s30], $0x4000  }
0xcc: {  	s14 =	rddreg [dreg:$0x7];
	[sflag:s30] =	ssyncset.done $0x0  }
0xcd: {  	[sflag:s30] =	ssyncadd.s32 $0xFFFFC000;
	s6 =	sadd.s32 s12, s14  }
0xce: {  	[hbm4b:s6+s4] =	stream.linear.scatter [tilespmem:s29], [sflag:$0x9], $0x4000, $0x38;
	[tilespmem:$0x1C340] =	vst v63  }
0xcf: {  	s14 =	sadd.s32 $0x800, s6  }
0xd0: {  	[hbm4b:s14+s4] =	stream.linear.scatter [tilespmem:s31], [sflag:$0xA], $0x4000, $0x38;
	[tilespmem:$0x1C340] =	vst v63  }
0xd1: {  	_ =	swait.ge [sflag:s28], $0x4000  }
0xd2: {  	[sflag:s28] =	ssyncset.done $0x0  }
0xd3: {  	[sflag:s28] =	ssyncadd.s32 $0xFFFFC000  }
0xd4: {  	_ =	swait.ge [sflag:s5], $0x4000  }
0xd5: {  	[sflag:s5] =	ssyncset.done $0x0  }
0xd6: {  	s14 =	sadd.s32 $0x580, s13;
	[sflag:s5] =	ssyncadd.s32 $0xFFFFC000  }
0xd7: {  	[tilespmem:s22], [sflag:$0x2] =	stream.indirect.gather [spmem:s3], $0x80, s14, s20, $0xb8;
	[tilespmem:$0x1C340] =	vst v63  }
0xd8: {  	s14 =	sadd.s32 $0x600, s13  }
0xd9: {  	[tilespmem:s24], [sflag:$0x3] =	stream.indirect.gather [spmem:s3], $0x80, s14, s20, $0xb8;
	[tilespmem:$0x1C340] =	vst v63  }
0xda: {  	_ =	swait.ge [sflag:s25], $0x4000  }
0xdb: {  	[sflag:s25] =	ssyncset.done $0x0  }
0xdc: {  	[sflag:s25] =	ssyncadd.s32 $0xFFFFC000  }
0xdd: {  	_ =	swait.ge [sflag:s26], $0x4000  }
0xde: {  	s14 =	rddreg [dreg:$0x8];
	[sflag:s26] =	ssyncset.done $0x0  }
0xdf: {  	[sflag:s26] =	ssyncadd.s32 $0xFFFFC000;
	s14 =	sadd.s32 s12, s14  }
0xe0: {  	[hbm4b:s14+s4] =	stream.linear.scatter [tilespmem:s21], [sflag:$0x6], $0x4000, $0x38;
	[tilespmem:$0x1C340] =	vst v63  }
0xe1: {  	s6 =	sadd.s32 $0x1800, s6  }
0xe2: {  	[hbm4b:s6+s4] =	stream.linear.scatter [tilespmem:s22], [sflag:$0x7], $0x4000, $0x38;
	[tilespmem:$0x1C340] =	vst v63  }
0xe3: {  	_ =	swait.ge [sflag:s7], $0x4000  }
0xe4: {  	p1 =	sne.s32 s11, $0x16800;
	[sflag:s7] =	ssyncset.done $0x0  }
.Ltmp0:
0xe5: {  	[sflag:s7] =	ssyncadd.s32 $0xFFFFC000;
	(pc) =	sbr.rel @p1 .LBB2_2-.Ltmp0, $4  }
0xe6: {  	_ =	swait.ge [sflag:s8], $0x4000  }
0xe7: {  	s11 =	sadd.s32 $0x1400, s11;
	s12 =	sadd.s32 $0x5000, s12;
	[sflag:s8] =	ssyncset.done $0x0  }
0xe8: {  	s14 =	sadd.s32 $0x680, s13;
	s13 =	sadd.s32 $0x700, s13;
	[sflag:s8] =	ssyncadd.s32 $0xFFFFC000  }
0xe9: {  	[tilespmem:s29], [sflag:$0x4] =	stream.indirect.gather [spmem:s3], $0x80, s14, s20, $0xb8;
	[tilespmem:$0x1C340] =	vst v63  }
0xea: {  	[tilespmem:s31], [sflag:$0x5] =	stream.indirect.gather [spmem:s3], $0x80, s13, s20, $0xb8;
	[tilespmem:$0x1C340] =	vst v63  }
0xeb: {  	_ =	swait.ge [sflag:s1], $0x4000  }
0xec: {  	[sflag:s1] =	ssyncset.done $0x0  }
0xed: {  	[sflag:s1] =	ssyncadd.s32 $0xFFFFC000  }
0xee: {  	_ =	swait.ge [sflag:s0], $0x4000  }
0xef: {  	[sflag:s0] =	ssyncset.done $0x0  }
0xf0: {  	s6 =	rddreg [dreg:$0xd];
	[sflag:s0] =	ssyncadd.s32 $0xFFFFC000  }
0xf1: {  	[hbm4b:s6+s4] =	stream.linear.scatter [tilespmem:s24], [sflag:$0x8], $0x4000, $0x38;
	[tilespmem:$0x1C340] =	vst v63  }
0xf2: {  	s13 =	rddreg [dreg:$0xe]  }
0xf3: {  	[hbm4b:s13+s4] =	stream.linear.scatter [tilespmem:s29], [sflag:$0x9], $0x4000, $0x38;
	[tilespmem:$0x1C340] =	vst v63  }
0xf4: {  	_ =	swait.ge [sflag:s23], $0x4000  }
0xf5: {  	[sflag:s23] =	ssyncset.done $0x0  }
0xf6: {  	[sflag:s23] =	ssyncadd.s32 $0xFFFFC000  }
0xf7: {  	_ =	swait.ge [sflag:s28], $0x4000  }
0xf8: {  	[sflag:s28] =	ssyncset.done $0x0  }
0xf9: {  	s14 =	simm.s32 $0x6180;
	[sflag:s28] =	ssyncadd.s32 $0xFFFFC000  }
0xfa: {  	[tilespmem:s21], [sflag:$0x1] =	stream.indirect.gather [spmem:s3], $0x80, s14, s20, $0xb8;
	[tilespmem:$0x1C340] =	vst v63  }
0xfb: {  	s11 =	simm.s32 $0x6200  }
0xfc: {  	[tilespmem:s22], [sflag:$0x2] =	stream.indirect.gather [spmem:s3], $0x80, s11, s20, $0xb8;
	[tilespmem:$0x1C340] =	vst v63  }
0xfd: {  	_ =	swait.ge [sflag:s30], $0x4000  }
0xfe: {  	[sflag:s30] =	ssyncset.done $0x0  }
0xff: {  	[sflag:s30] =	ssyncadd.s32 $0xFFFFC000  }
0x100: {  	_ =	swait.ge [sflag:s25], $0x4000  }
0x101: {  	[sflag:s25] =	ssyncset.done $0x0  }
0x102: {  	s12 =	rddreg [dreg:$0xf];
	[sflag:s25] =	ssyncadd.s32 $0xFFFFC000  }
0x103: {  	[hbm4b:s12+s4] =	stream.linear.scatter [tilespmem:s31], [sflag:$0xA], $0x4000, $0x38;
	[tilespmem:$0x1C340] =	vst v63  }
0x104: {  	s13 =	rddreg [dreg:$0x10]  }
0x105: {  	[hbm4b:s13+s4] =	stream.linear.scatter [tilespmem:s21], [sflag:$0x6], $0x4000, $0x38;
	[tilespmem:$0x1C340] =	vst v63  }
0x106: {  	_ =	swait.ge [sflag:s5], $0x4000  }
0x107: {  	[sflag:s5] =	ssyncset.done $0x0  }
0x108: {  	[sflag:s5] =	ssyncadd.s32 $0xFFFFC000  }
0x109: {  	_ =	swait.ge [sflag:s7], $0x4000  }
0x10a: {  	[sflag:s7] =	ssyncset.done $0x0  }
0x10b: {  	s14 =	simm.s32 $0x6280;
	[sflag:s7] =	ssyncadd.s32 $0xFFFFC000  }
0x10c: {  	[tilespmem:s24], [sflag:$0x3] =	stream.indirect.gather [spmem:s3], $0x80, s14, s20, $0xb8;
	[tilespmem:$0x1C340] =	vst v63  }
0x10d: {  	s11 =	simm.s32 $0x6300  }
0x10e: {  	[tilespmem:s29], [sflag:$0x4] =	stream.indirect.gather [spmem:s3], $0x80, s11, s20, $0xb8;
	[tilespmem:$0x1C340] =	vst v63  }
0x10f: {  	_ =	swait.ge [sflag:s26], $0x4000  }
0x110: {  	[sflag:s26] =	ssyncset.done $0x0  }
0x111: {  	[sflag:s26] =	ssyncadd.s32 $0xFFFFC000  }
0x112: {  	_ =	swait.ge [sflag:s1], $0x4000  }
0x113: {  	[sflag:s1] =	ssyncset.done $0x0  }
0x114: {  	s12 =	rddreg [dreg:$0x11];
	[sflag:s1] =	ssyncadd.s32 $0xFFFFC000  }
0x115: {  	[hbm4b:s12+s4] =	stream.linear.scatter [tilespmem:s22], [sflag:$0x7], $0x4000, $0x38;
	[tilespmem:$0x1C340] =	vst v63  }
0x116: {  	s13 =	rddreg [dreg:$0x12]  }
0x117: {  	[hbm4b:s13+s4] =	stream.linear.scatter [tilespmem:s24], [sflag:$0x8], $0x4000, $0x38;
	[tilespmem:$0x1C340] =	vst v63  }
0x118: {  	_ =	swait.ge [sflag:s8], $0x4000  }
0x119: {  	[sflag:s8] =	ssyncset.done $0x0  }
0x11a: {  	[sflag:s8] =	ssyncadd.s32 $0xFFFFC000  }
0x11b: {  	_ =	swait.ge [sflag:s23], $0x4000  }
0x11c: {  	[sflag:s23] =	ssyncset.done $0x0  }
0x11d: {  	s14 =	simm.s32 $0x6380;
	[sflag:s23] =	ssyncadd.s32 $0xFFFFC000  }
0x11e: {  	[tilespmem:s31], [sflag:$0x5] =	stream.indirect.gather [spmem:s3], $0x80, s14, s20, $0xb8;
	[tilespmem:$0x1C340] =	vst v63  }
0x11f: {  	_ =	swait.ge [sflag:s0], $0x4000  }
0x120: {  	[sflag:s0] =	ssyncset.done $0x0  }
0x121: {  	[sflag:s0] =	ssyncadd.s32 $0xFFFFC000  }
0x122: {  	_ =	swait.ge [sflag:s30], $0x4000  }
0x123: {  	[sflag:s30] =	ssyncset.done $0x0  }
0x124: {  	[sflag:s30] =	ssyncadd.s32 $0xFFFFC000  }
0x125: {  	[hbm4b:s15+s4] =	stream.linear.scatter [tilespmem:s29], [sflag:$0x9], $0x4000, $0x38;
	[tilespmem:$0x1C340] =	vst v63  }
0x126: {  	_ = 	snop  }
0x127: {  	[hbm4b:s16+s4] =	stream.linear.scatter [tilespmem:s31], [sflag:$0xA], $0x4000, $0x38;
	[tilespmem:$0x1C340] =	vst v63  }
0x128: {  	_ =	swait.ge [sflag:s28], $0x4000  }
0x129: {  	[sflag:s28] =	ssyncset.done $0x0  }
0x12a: {  	[sflag:s28] =	ssyncadd.s32 $0xFFFFC000  }
0x12b: {  	_ =	swait.ge [sflag:s5], $0x4000  }
0x12c: {  	[sflag:s5] =	ssyncset.done $0x0  }
0x12d: {  	s9 =	sadd.s32 $0x1, s9;
	[sflag:s5] =	ssyncadd.s32 $0xFFFFC000  }
0x12e: {  	p1 =	sne.s32 s9, s17;
	_ =	swait.ge [sflag:s7], $0x4000  }
.Ltmp1:
0x12f: {  	[sflag:s7] =	ssyncset.done $0x0;
	(pc) =	sbr.rel @p1 .LBB2_1-.Ltmp1, $4  }
0x130: {  	[sflag:s7] =	ssyncadd.s32 $0xFFFFC000  }
0x131: {  	_ =	swait.ge [sflag:s8], $0x4000  }
0x132: {  	[sflag:s8] =	ssyncset.done $0x0  }
0x133: {  	[sflag:s8] =	ssyncadd.s32 $0xFFFFC000  }
0x134: {  	_ =	sfence.sel $0x180000  }
0x135: {  	[bflag:$0x0] =	sbarrier.arrive $0xFFFF  }
0x136: {  	_ =	strace $0x90000047  }
0x137: {  	[bflag:$0x2] =	sbarrier.arrive $0xFFFF  }
0x138: {  	s0 =	rddreg [dreg:$0x4]  }
0x139: {  	s0 =	sadd.s32 @!p0 $0x100000, s0  }
0x13a: {  	[sflag:s0] =	ssyncadd.tile.s32 @!p0 $0x1;
	_ =	shalt  }
.Lfunc_end2:
_tile_overlayer_lowered:
.L_overlay_start_2:
0x13b: {  	(tag) =	ssettag $0x2  }
0x13c: {  	s0 =	rddreg [dreg:$0x0];
	s2 =	stileid.u32  }
0x13d: {  	s1 =	rddreg [dreg:$0x1];
	p0 =	sne.s32 s2, $0x0  }
0x13e: {  	s3 =	rddreg [dreg:$0x2];
	[bflag:$0x3] =	sbarrier.arrive $0xFFFF;
	s2 =	simm.s32 @!p0 $0x1C0C  }
0x13f: {  	[timem:s3], [sflag:s2] =	dma.local @!p0 [hbm:s0], s1  }
0x140: {  	s0 =	simm.s32 @!p0 $0xC  }
0x141: {  	_ =	swait.ge @!p0 [sflag:s0], s1  }
0x142: {  	s1 =	ssub.s32 @!p0 $0x0, s1;
	[sflag:s0] =	ssyncset.done @!p0 $0x0  }
0x143: {  	[sflag:s0] =	ssyncadd.s32 @!p0 s1  }
0x144: {  	[bflag:$0x3] =	sbarrier.arrive $0xFFFF  }
0x145: {  	_ =	shalt  }

</sc_bundles>
